<compile_context>
chip_gen: v7x
topology: tpu7x:2x2x1
jax: 0.10.2.dev20260603
libtpu: 0.0.44.dev20260713+nightly
codegen_flags: <defaults>
</compile_context>

<pallas_src>
import jax
import jax.numpy as jnp
from jax.experimental import pallas as pl
from jax.experimental.pallas import tpu as pltpu

_SPEECH_ID = 31999
_ST_ID = 31995
_ET_ID = 31996
_SS_ID = 31997
_ES_ID = 31998
_IGNORE = -100

_R = 16


def _proj_body(f_ref, w_ref, b_ref, o_ref):
    o_ref[...] = (
        jnp.dot(f_ref[0], w_ref[...], preferred_element_type=jnp.float32)
        + b_ref[...]
    )[None]


def _merge_body(tok_ref, si_ref, code_ref, *refs):
    emb_refs = refs[:_R]
    sp_ref, prompt_ref, out_ref = refs[_R], refs[_R + 1], refs[_R + 2]
    b = pl.program_id(0)
    jt = pl.program_id(1)
    for r in range(_R):
        j = jt * _R + r
        c = code_ref[b, j]
        si = si_ref[b, j]
        emb_row = emb_refs[r][...].reshape(8, 128)
        sp_row = sp_ref[pl.ds(0, 1), pl.ds(si, 1), :, :].reshape(8, 128)
        pr_row = prompt_ref[pl.ds(jnp.clip(c, 0, 3), 1), :, :].reshape(8, 128)
        row = jnp.where(
            c == 4,
            emb_row,
            jnp.where(c == 5, sp_row, jnp.where(c >= 0, pr_row, 0.0)),
        )
        out_ref[pl.ds(0, 1), pl.ds(r, 1), :, :] = row.reshape(1, 1, 8, 128)


@jax.jit
def kernel(feature, feature_lens, input_ids, attention_mask, labels,
           embed_table, prompt_embedding, W_proj, b_proj):
    B, S, d_enc = feature.shape
    L = input_ids.shape[1]
    V, d = embed_table.shape
    L_out = L - 1 + S
    L_pad = ((L_out + _R - 1) // _R) * _R
    NT = L_pad // _R
    dt = d // 128

    speech_feats = pl.pallas_call(
        _proj_body,
        grid=(B,),
        in_specs=[
            pl.BlockSpec((1, S, d_enc), lambda b: (b, 0, 0)),
            pl.BlockSpec((d_enc, d), lambda b: (0, 0)),
            pl.BlockSpec((1, d), lambda b: (0, 0)),
        ],
        out_specs=pl.BlockSpec((1, S, d), lambda b: (b, 0, 0)),
        out_shape=jax.ShapeDtypeStruct((B, S, d), jnp.float32),
    )(feature, W_proj, b_proj.reshape(1, d))

    T = attention_mask.astype(jnp.int32).sum(axis=1)
    pos = jnp.argmax(input_ids == _SPEECH_ID, axis=1).astype(jnp.int32)
    sl = feature_lens.astype(jnp.int32)
    total = T - 1 + sl
    offset = L_out - total
    j = jnp.arange(L_pad, dtype=jnp.int32)[None, :]
    k = j - offset[:, None]
    is_sp = (k >= pos[:, None]) & (k < (pos + sl)[:, None])
    text_idx = jnp.where(k < pos[:, None], k, k - sl[:, None] + 1)
    text_idx = jnp.clip(text_idx, 0, L - 1)
    si = jnp.clip(k - pos[:, None], 0, S - 1).astype(jnp.int32)
    valid = (k >= 0) & (k < total[:, None]) & (j < L_out)
    tok_raw = jnp.take_along_axis(input_ids, text_idx, axis=1)
    widx = jnp.full_like(tok_raw, -1)
    for t, w in ((_ST_ID, 0), (_ET_ID, 1), (_SS_ID, 2), (_ES_ID, 3)):
        widx = jnp.where(tok_raw == t, w, widx)
    code = jnp.where(
        ~valid, -1, jnp.where(is_sp, 5, jnp.where(widx >= 0, widx, 4))
    ).astype(jnp.int32)
    tok = jnp.clip(jnp.where(code == 4, tok_raw, 0), 0, V - 1).astype(jnp.int32)

    prompt_pad = jnp.zeros((8, d), jnp.float32).at[:4].set(prompt_embedding)

    emb_t = embed_table.reshape(V, dt, 128)
    sp_t = speech_feats.reshape(B, S, dt, 128)
    prompt_t = prompt_pad.reshape(8, dt, 128)

    def emb_spec(r):
        def imap(b, jt, tok_ref, si_ref, code_ref):
            return (tok_ref[b, jt * _R + r], 0, 0)
        return pl.BlockSpec((1, dt, 128), imap)

    grid_spec = pltpu.PrefetchScalarGridSpec(
        num_scalar_prefetch=3,
        grid=(B, NT),
        in_specs=(
            [emb_spec(r) for r in range(_R)]
            + [
                pl.BlockSpec((1, S, dt, 128), lambda b, jt, *_: (b, 0, 0, 0)),
                pl.BlockSpec((8, dt, 128), lambda b, jt, *_: (0, 0, 0)),
            ]
        ),
        out_specs=pl.BlockSpec((1, _R, dt, 128), lambda b, jt, *_: (b, jt, 0, 0)),
    )
    merged = pl.pallas_call(
        _merge_body,
        grid_spec=grid_spec,
        out_shape=jax.ShapeDtypeStruct((B, L_pad, dt, 128), jnp.float32),
    )(tok, si, code, *([emb_t] * _R), sp_t, prompt_t)
    merged = merged.reshape(B, L_pad, d)[:, :L_out]

    lab = jnp.take_along_axis(labels, text_idx, axis=1)
    lab = jnp.where(is_sp, _IGNORE, lab)
    lab = jnp.where(valid, lab, _IGNORE).astype(jnp.int32)
    out_mask = valid[:, :L_out]
    out_labels = lab[:, :L_out]
    return merged, out_mask, out_labels

# --- scband reference (transcript-rebuilt; emitter-appended) ---
"""Pipeline reference for scband-speech-llm-zipformer-mo-se-31825707663838 (READ-ONLY COPY).

The authoritative reference and input builder live on the scoring server;
editing this copy changes nothing except your own understanding.
"""

import jax, jax.numpy as jnp
import numpy as np

SPEECH_ID = 31999
ST_ID = 31995
ET_ID = 31996
SS_ID = 31997
ES_ID = 31998
IGNORE = -100

def setup_inputs(seed: int = 0) -> dict:
    key = jax.random.key(seed)
    ks = jax.random.split(key, 10)
    B, L, S, d_enc, d, V = 8, 2048, 512, 512, 1024, 32000
    input_ids = jax.random.randint(ks[0], (B, L), 0, 31000, dtype=jnp.int32)
    pos = 10 + jnp.arange(B, dtype=jnp.int32)
    input_ids = input_ids.at[jnp.arange(B), pos].set(SPEECH_ID)
    input_ids = input_ids.at[:, 1].set(ST_ID)
    input_ids = input_ids.at[:, 2].set(SS_ID)
    input_ids = input_ids.at[:, 5].set(ES_ID)
    input_ids = input_ids.at[:, 100].set(ET_ID)
    text_len = jax.random.randint(ks[1], (B,), L // 2, L, dtype=jnp.int32)
    attention_mask = jnp.arange(L, dtype=jnp.int32)[None, :] < text_len[:, None]
    feature = jax.random.normal(ks[2], (B, S, d_enc), dtype=jnp.float32)
    feature_lens = jax.random.randint(ks[3], (B,), 64, S, dtype=jnp.int32)
    labels = jax.random.randint(ks[4], (B, L), 0, 31000, dtype=jnp.int32)
    embed_table = jax.random.normal(ks[5], (V, d), dtype=jnp.float32) * 0.02
    prompt_embedding = jax.random.normal(ks[6], (4, d), dtype=jnp.float32) * 0.02
    W_proj = jax.random.normal(ks[7], (d_enc, d), dtype=jnp.float32) * 0.02
    b_proj = jnp.zeros((d,), dtype=jnp.float32)
    return {"feature": feature, "feature_lens": feature_lens, "input_ids": input_ids,
            "attention_mask": attention_mask, "labels": labels, "embed_table": embed_table,
            "prompt_embedding": prompt_embedding, "W_proj": W_proj, "b_proj": b_proj}

def reference(feature, feature_lens, input_ids, attention_mask, labels,
              embed_table, prompt_embedding, W_proj, b_proj):
    B, S, d_enc = feature.shape
    L = input_ids.shape[1]
    # encoder_projector: linear projection of (frozen) encoder speech features to LLM dim
    speech_feats = feature @ W_proj + b_proj  # [B, S, d]
    # llm.get_input_embeddings()(input_ids)
    inputs_embeds = jnp.take(embed_table, input_ids, axis=0)  # [B, L, d]
    # replace special tokens with learned prompt embeddings (rows 0..3)
    for tok, widx in ((ST_ID, 0), (ET_ID, 1), (SS_ID, 2), (ES_ID, 3)):
        m = (input_ids == tok)[..., None]
        inputs_embeds = jnp.where(m, prompt_embedding[widx][None, None, :], inputs_embeds)
    L_out = L - 1 + S  # speech placeholder removed, up to S speech frames inserted

    def merge_one(emb, ids, mask, lab, sp, sl):
        T = jnp.sum(mask.astype(jnp.int32))  # valid text tokens (right-padded mask)
        pos = jnp.argmax(ids == SPEECH_ID).astype(jnp.int32)
        total = (T - 1) + sl  # merged valid length
        j = jnp.arange(L_out, dtype=jnp.int32)
        k = j - (L_out - total)  # left-pad (flip/pad/flip semantics)
        is_sp = (k >= pos) & (k < pos + sl)
        text_idx = jnp.where(k < pos, k, k - sl + 1)
        text_idx = jnp.clip(text_idx, 0, L - 1)
        sp_idx = jnp.clip(k - pos, 0, S - 1)
        row = jnp.where(is_sp[:, None], sp[sp_idx], emb[text_idx])
        valid = (k >= 0) & (k < total)
        row = jnp.where(valid[:, None], row, 0.0)
        lab_row = jnp.where(is_sp, IGNORE, lab[text_idx])
        lab_row = jnp.where(valid, lab_row, IGNORE)
        return row, valid, lab_row

    merged, out_mask, out_labels = jax.vmap(merge_one)(
        inputs_embeds, input_ids, attention_mask, labels, speech_feats, feature_lens)
    return merged, out_mask, out_labels

if __name__ == "__main__":
    import jax
    _d = setup_inputs()
    print(jax.jit(kernel)(*tuple(_d.values())))

</pallas_src>

<mosaic_0001>
module attributes {stable_mosaic.version = 14 : i64} {
  func.func @_proj_body(%arg0: i32, %arg1: memref<1x512x512xf32, #tpu.memory_space<vmem>>, %arg2: memref<512x1024xf32, #tpu.memory_space<vmem>>, %arg3: memref<1x1024xf32, #tpu.memory_space<vmem>>, %arg4: memref<1x512x1024xf32, #tpu.memory_space<vmem>>) attributes {dimension_semantics = [#tpu.dimension_semantics<arbitrary>], iteration_bounds = array<i64: 8>, scalar_prefetch = 0 : i64, scratch_operands = 0 : i64, tpu.core_type = #tpu.core_type<tc>, window_params = [{transform_indices = @transform_0, window_bounds = array<i64: 1, 512, 512>}, {pipeline_mode = #tpu.pipeline_mode<synchronous>, transform_indices = @transform_1, window_bounds = array<i64: 512, 1024>}, {pipeline_mode = #tpu.pipeline_mode<synchronous>, transform_indices = @transform_2, window_bounds = array<i64: 1, 1024>}, {transform_indices = @transform_3, window_bounds = array<i64: 1, 512, 1024>}]} {
    %get3A = arith.constant 0 : index
    %get3A_0 = arith.constant 0 : index
    %get3A_1 = arith.constant 0 : index
    %get3A_2 = vector.load %arg1[%get3A, %get3A_0, %get3A_1] : memref<1x512x512xf32, #tpu.memory_space<vmem>>, vector<1x512x512xf32>
    %get3A_3 = vector.shape_cast %get3A_2 : vector<1x512x512xf32> to vector<512x512xf32>
    %get3A_4 = arith.constant 0 : index
    %get3A_5 = arith.constant 0 : index
    %get3A_6 = vector.load %arg2[%get3A_4, %get3A_5] : memref<512x1024xf32, #tpu.memory_space<vmem>>, vector<512x1024xf32>
    %dot_general3A = arith.constant dense<0.000000e+00> : vector<512x1024xf32>
    %dot_general3A_7 = tpu.matmul %get3A_3, %get3A_6, %dot_general3A {dimension_numbers = #tpu.dot_dimension_numbers<[1], [0], [0], [1], [0, 0, 1, 1], [], []>, transpose_lhs_hint = false} : vector<512x512xf32>, vector<512x1024xf32>, vector<512x1024xf32> -> vector<512x1024xf32>
    %get3A_8 = arith.constant 0 : index
    %get3A_9 = arith.constant 0 : index
    %get3A_10 = vector.load %arg3[%get3A_8, %get3A_9] : memref<1x1024xf32, #tpu.memory_space<vmem>>, vector<1x1024xf32>
    %add3A = vector.broadcast %get3A_10 : vector<1x1024xf32> to vector<512x1024xf32>
    %add3A_11 = arith.addf %dot_general3A_7, %add3A : vector<512x1024xf32>
    %broadcast_in_dim3A = vector.shape_cast %add3A_11 : vector<512x1024xf32> to vector<1x512x1024xf32>
    %swap3A = arith.constant 0 : index
    %swap3A_12 = arith.constant 0 : index
    %swap3A_13 = arith.constant 0 : index
    %swap3A_14 = vector.load %arg4[%swap3A, %swap3A_12, %swap3A_13] : memref<1x512x1024xf32, #tpu.memory_space<vmem>>, vector<1x512x1024xf32>
    tpu.vector_store %arg4[%swap3A, %swap3A_12, %swap3A_13], %broadcast_in_dim3A {strides = array<i32>} : memref<1x512x1024xf32, #tpu.memory_space<vmem>>, vector<1x512x1024xf32>,
    return
  }
  func.func @transform_0(%arg0: i32) -> (i32, i32, i32) {
    %c0_i32 = arith.constant 0 : i32
    %c0_i32_0 = arith.constant 0 : i32
    %c0_i32_1 = arith.constant 0 : i32
    return %arg0, %c0_i32, %c0_i32_0 : i32, i32, i32
  }
  func.func @transform_1(%arg0: i32) -> (i32, i32) {
    %c0_i32 = arith.constant 0 : i32
    %c0_i32_0 = arith.constant 0 : i32
    %c0_i32_1 = arith.constant 0 : i32
    return %c0_i32, %c0_i32_0 : i32, i32
  }
  func.func @transform_2(%arg0: i32) -> (i32, i32) {
    %c0_i32 = arith.constant 0 : i32
    %c0_i32_0 = arith.constant 0 : i32
    %c0_i32_1 = arith.constant 0 : i32
    return %c0_i32, %c0_i32_0 : i32, i32
  }
  func.func @transform_3(%arg0: i32) -> (i32, i32, i32) {
    %c0_i32 = arith.constant 0 : i32
    %c0_i32_0 = arith.constant 0 : i32
    %c0_i32_1 = arith.constant 0 : i32
    return %arg0, %c0_i32, %c0_i32_0 : i32, i32, i32
  }
}

module attributes {stable_mosaic.version = 14 : i64} {
  func.func @_merge_body(%arg0: i32, %arg1: i32, %arg2: memref<8x2560xi32, #tpu.memory_space<smem>>, %arg3: memref<8x2560xi32, #tpu.memory_space<smem>>, %arg4: memref<8x2560xi32, #tpu.memory_space<smem>>, %arg5: memref<1x8x128xf32, #tpu.memory_space<vmem>>, %arg6: memref<1x8x128xf32, #tpu.memory_space<vmem>>, %arg7: memref<1x8x128xf32, #tpu.memory_space<vmem>>, %arg8: memref<1x8x128xf32, #tpu.memory_space<vmem>>, %arg9: memref<1x8x128xf32, #tpu.memory_space<vmem>>, %arg10: memref<1x8x128xf32, #tpu.memory_space<vmem>>, %arg11: memref<1x8x128xf32, #tpu.memory_space<vmem>>, %arg12: memref<1x8x128xf32, #tpu.memory_space<vmem>>, %arg13: memref<1x8x128xf32, #tpu.memory_space<vmem>>, %arg14: memref<1x8x128xf32, #tpu.memory_space<vmem>>, %arg15: memref<1x8x128xf32, #tpu.memory_space<vmem>>, %arg16: memref<1x8x128xf32, #tpu.memory_space<vmem>>, %arg17: memref<1x8x128xf32, #tpu.memory_space<vmem>>, %arg18: memref<1x8x128xf32, #tpu.memory_space<vmem>>, %arg19: memref<1x8x128xf32, #tpu.memory_space<vmem>>, %arg20: memref<1x8x128xf32, #tpu.memory_space<vmem>>, %arg21: memref<1x512x8x128xf32, #tpu.memory_space<vmem>>, %arg22: memref<8x8x128xf32, #tpu.memory_space<vmem>>, %arg23: memref<1x16x8x128xf32, #tpu.memory_space<vmem>>) attributes {dimension_semantics = [#tpu.dimension_semantics<arbitrary>, #tpu.dimension_semantics<arbitrary>], iteration_bounds = array<i64: 8, 160>, scalar_prefetch = 3 : i64, scratch_operands = 0 : i64, tpu.core_type = #tpu.core_type<tc>, window_params = [{transform_indices = @transform_0, window_bounds = array<i64: 1, 8, 128>}, {transform_indices = @transform_1, window_bounds = array<i64: 1, 8, 128>}, {transform_indices = @transform_2, window_bounds = array<i64: 1, 8, 128>}, {transform_indices = @transform_3, window_bounds = array<i64: 1, 8, 128>}, {transform_indices = @transform_4, window_bounds = array<i64: 1, 8, 128>}, {transform_indices = @transform_5, window_bounds = array<i64: 1, 8, 128>}, {transform_indices = @transform_6, window_bounds = array<i64: 1, 8, 128>}, {transform_indices = @transform_7, window_bounds = array<i64: 1, 8, 128>}, {transform_indices = @transform_8, window_bounds = array<i64: 1, 8, 128>}, {transform_indices = @transform_9, window_bounds = array<i64: 1, 8, 128>}, {transform_indices = @transform_10, window_bounds = array<i64: 1, 8, 128>}, {transform_indices = @transform_11, window_bounds = array<i64: 1, 8, 128>}, {transform_indices = @transform_12, window_bounds = array<i64: 1, 8, 128>}, {transform_indices = @transform_13, window_bounds = array<i64: 1, 8, 128>}, {transform_indices = @transform_14, window_bounds = array<i64: 1, 8, 128>}, {transform_indices = @transform_15, window_bounds = array<i64: 1, 8, 128>}, {transform_indices = @transform_16, window_bounds = array<i64: 1, 512, 8, 128>}, {pipeline_mode = #tpu.pipeline_mode<synchronous>, transform_indices = @transform_17, window_bounds = array<i64: 8, 8, 128>}, {transform_indices = @transform_18, window_bounds = array<i64: 1, 16, 8, 128>}]} {
    %mul3A = arith.constant 16 : i32
    %mul3A_0 = arith.muli %arg1, %mul3A : i32
    %add3A = arith.constant 0 : i32
    %add3A_1 = arith.addi %mul3A_0, %add3A : i32
    %get3A = arith.index_cast %arg0 : i32 to index
    %get3A_2 = arith.index_cast %add3A_1 : i32 to index
    %get3A_3 = memref.load %arg4[%get3A, %get3A_2] : memref<8x2560xi32, #tpu.memory_space<smem>>
    %get3A_4 = arith.index_cast %arg0 : i32 to index
    %get3A_5 = arith.index_cast %add3A_1 : i32 to index
    %get3A_6 = memref.load %arg3[%get3A_4, %get3A_5] : memref<8x2560xi32, #tpu.memory_space<smem>>
    %get3A_7 = arith.constant 0 : index
    %get3A_8 = arith.constant 0 : index
    %get3A_9 = arith.constant 0 : index
    %get3A_10 = vector.load %arg5[%get3A_7, %get3A_8, %get3A_9] : memref<1x8x128xf32, #tpu.memory_space<vmem>>, vector<1x8x128xf32>
    %reshape3A = vector.shape_cast %get3A_10 : vector<1x8x128xf32> to vector<8x128xf32>
    %get3A_11 = arith.constant 0 : index
    %get3A_12 = arith.index_cast %get3A_6 : i32 to index
    %get3A_13 = arith.constant 0 : index
    %get3A_14 = arith.constant 0 : index
    %get3A_15 = vector.load %arg21[%get3A_11, %get3A_12, %get3A_13, %get3A_14] : memref<1x512x8x128xf32, #tpu.memory_space<vmem>>, vector<1x1x8x128xf32>
    %reshape3A_16 = vector.shape_cast %get3A_15 : vector<1x1x8x128xf32> to vector<8x128xf32>
    %jit3A = arith.constant 0 : i32
    %jit3A_17 = arith.constant 3 : i32
    %max3A = arith.maxsi %jit3A, %get3A_3 : i32
    %min3A = arith.minsi %jit3A_17, %max3A : i32
    %get3A_18 = arith.index_cast %min3A : i32 to index
    %get3A_19 = arith.constant 0 : index
    %get3A_20 = arith.constant 0 : index
    %get3A_21 = vector.load %arg22[%get3A_18, %get3A_19, %get3A_20] : memref<8x8x128xf32, #tpu.memory_space<vmem>>, vector<1x8x128xf32>
    %reshape3A_22 = vector.shape_cast %get3A_21 : vector<1x8x128xf32> to vector<8x128xf32>
    %eq3A = arith.constant 4 : i32
    %eq3A_23 = arith.cmpi eq, %get3A_3, %eq3A : i32
    %eq3A_24 = arith.constant 5 : i32
    %eq3A_25 = arith.cmpi eq, %get3A_3, %eq3A_24 : i32
    %ge3A = arith.constant 0 : i32
    %ge3A_26 = arith.cmpi sge, %get3A_3, %ge3A : i32
    %jit3A_27 = arith.constant 0.000000e+00 : f32
    %broadcast_in_dim3A = vector.broadcast %jit3A_27 : f32 to vector<8x128xf32>
    %select_n3A = arith.select %ge3A_26, %reshape3A_22, %broadcast_in_dim3A : vector<8x128xf32>
    %select_n3A_28 = arith.select %eq3A_25, %reshape3A_16, %select_n3A : vector<8x128xf32>
    %select_n3A_29 = arith.select %eq3A_23, %reshape3A, %select_n3A_28 : vector<8x128xf32>
    %reshape3A_30 = vector.shape_cast %select_n3A_29 : vector<8x128xf32> to vector<1x1x8x128xf32>
    %swap3A = arith.constant 0 : index
    %swap3A_31 = arith.constant 0 : index
    %swap3A_32 = arith.constant 0 : index
    %swap3A_33 = arith.constant 0 : index
    %swap3A_34 = vector.load %arg23[%swap3A, %swap3A_31, %swap3A_32, %swap3A_33] : memref<1x16x8x128xf32, #tpu.memory_space<vmem>>, vector<1x1x8x128xf32>
    tpu.vector_store %arg23[%swap3A, %swap3A_31, %swap3A_32, %swap3A_33], %reshape3A_30 {strides = array<i32>} : memref<1x16x8x128xf32, #tpu.memory_space<vmem>>, vector<1x1x8x128xf32>,
    %mul3A_35 = arith.constant 16 : i32
    %mul3A_36 = arith.muli %arg1, %mul3A_35 : i32
    %add3A_37 = arith.constant 1 : i32
    %add3A_38 = arith.addi %mul3A_36, %add3A_37 : i32
    %get3A_39 = arith.index_cast %arg0 : i32 to index
    %get3A_40 = arith.index_cast %add3A_38 : i32 to index
    %get3A_41 = memref.load %arg4[%get3A_39, %get3A_40] : memref<8x2560xi32, #tpu.memory_space<smem>>
    %get3A_42 = arith.index_cast %arg0 : i32 to index
    %get3A_43 = arith.index_cast %add3A_38 : i32 to index
    %get3A_44 = memref.load %arg3[%get3A_42, %get3A_43] : memref<8x2560xi32, #tpu.memory_space<smem>>
    %get3A_45 = arith.constant 0 : index
    %get3A_46 = arith.constant 0 : index
    %get3A_47 = arith.constant 0 : index
    %get3A_48 = vector.load %arg6[%get3A_45, %get3A_46, %get3A_47] : memref<1x8x128xf32, #tpu.memory_space<vmem>>, vector<1x8x128xf32>
    %reshape3A_49 = vector.shape_cast %get3A_48 : vector<1x8x128xf32> to vector<8x128xf32>
    %get3A_50 = arith.constant 0 : index
    %get3A_51 = arith.index_cast %get3A_44 : i32 to index
    %get3A_52 = arith.constant 0 : index
    %get3A_53 = arith.constant 0 : index
    %get3A_54 = vector.load %arg21[%get3A_50, %get3A_51, %get3A_52, %get3A_53] : memref<1x512x8x128xf32, #tpu.memory_space<vmem>>, vector<1x1x8x128xf32>
    %reshape3A_55 = vector.shape_cast %get3A_54 : vector<1x1x8x128xf32> to vector<8x128xf32>
    %jit3A_56 = arith.constant 0 : i32
    %jit3A_57 = arith.constant 3 : i32
    %max3A_58 = arith.maxsi %jit3A_56, %get3A_41 : i32
    %min3A_59 = arith.minsi %jit3A_57, %max3A_58 : i32
    %get3A_60 = arith.index_cast %min3A_59 : i32 to index
    %get3A_61 = arith.constant 0 : index
    %get3A_62 = arith.constant 0 : index
    %get3A_63 = vector.load %arg22[%get3A_60, %get3A_61, %get3A_62] : memref<8x8x128xf32, #tpu.memory_space<vmem>>, vector<1x8x128xf32>
    %reshape3A_64 = vector.shape_cast %get3A_63 : vector<1x8x128xf32> to vector<8x128xf32>
    %eq3A_65 = arith.constant 4 : i32
    %eq3A_66 = arith.cmpi eq, %get3A_41, %eq3A_65 : i32
    %eq3A_67 = arith.constant 5 : i32
    %eq3A_68 = arith.cmpi eq, %get3A_41, %eq3A_67 : i32
    %ge3A_69 = arith.constant 0 : i32
    %ge3A_70 = arith.cmpi sge, %get3A_41, %ge3A_69 : i32
    %jit3A_71 = arith.constant 0.000000e+00 : f32
    %broadcast_in_dim3A_72 = vector.broadcast %jit3A_71 : f32 to vector<8x128xf32>
    %select_n3A_73 = arith.select %ge3A_70, %reshape3A_64, %broadcast_in_dim3A_72 : vector<8x128xf32>
    %select_n3A_74 = arith.select %eq3A_68, %reshape3A_55, %select_n3A_73 : vector<8x128xf32>
    %select_n3A_75 = arith.select %eq3A_66, %reshape3A_49, %select_n3A_74 : vector<8x128xf32>
    %reshape3A_76 = vector.shape_cast %select_n3A_75 : vector<8x128xf32> to vector<1x1x8x128xf32>
    %swap3A_77 = arith.constant 0 : index
    %swap3A_78 = arith.constant 1 : index
    %swap3A_79 = arith.constant 0 : index
    %swap3A_80 = arith.constant 0 : index
    %swap3A_81 = vector.load %arg23[%swap3A_77, %swap3A_78, %swap3A_79, %swap3A_80] : memref<1x16x8x128xf32, #tpu.memory_space<vmem>>, vector<1x1x8x128xf32>
    tpu.vector_store %arg23[%swap3A_77, %swap3A_78, %swap3A_79, %swap3A_80], %reshape3A_76 {strides = array<i32>} : memref<1x16x8x128xf32, #tpu.memory_space<vmem>>, vector<1x1x8x128xf32>,
    %mul3A_82 = arith.constant 16 : i32
    %mul3A_83 = arith.muli %arg1, %mul3A_82 : i32
    %add3A_84 = arith.constant 2 : i32
    %add3A_85 = arith.addi %mul3A_83, %add3A_84 : i32
    %get3A_86 = arith.index_cast %arg0 : i32 to index
    %get3A_87 = arith.index_cast %add3A_85 : i32 to index
    %get3A_88 = memref.load %arg4[%get3A_86, %get3A_87] : memref<8x2560xi32, #tpu.memory_space<smem>>
    %get3A_89 = arith.index_cast %arg0 : i32 to index
    %get3A_90 = arith.index_cast %add3A_85 : i32 to index
    %get3A_91 = memref.load %arg3[%get3A_89, %get3A_90] : memref<8x2560xi32, #tpu.memory_space<smem>>
    %get3A_92 = arith.constant 0 : index
    %get3A_93 = arith.constant 0 : index
    %get3A_94 = arith.constant 0 : index
    %get3A_95 = vector.load %arg7[%get3A_92, %get3A_93, %get3A_94] : memref<1x8x128xf32, #tpu.memory_space<vmem>>, vector<1x8x128xf32>
    %reshape3A_96 = vector.shape_cast %get3A_95 : vector<1x8x128xf32> to vector<8x128xf32>
    %get3A_97 = arith.constant 0 : index
    %get3A_98 = arith.index_cast %get3A_91 : i32 to index
    %get3A_99 = arith.constant 0 : index
    %get3A_100 = arith.constant 0 : index
    %get3A_101 = vector.load %arg21[%get3A_97, %get3A_98, %get3A_99, %get3A_100] : memref<1x512x8x128xf32, #tpu.memory_space<vmem>>, vector<1x1x8x128xf32>
    %reshape3A_102 = vector.shape_cast %get3A_101 : vector<1x1x8x128xf32> to vector<8x128xf32>
    %jit3A_103 = arith.constant 0 : i32
    %jit3A_104 = arith.constant 3 : i32
    %max3A_105 = arith.maxsi %jit3A_103, %get3A_88 : i32
    %min3A_106 = arith.minsi %jit3A_104, %max3A_105 : i32
    %get3A_107 = arith.index_cast %min3A_106 : i32 to index
    %get3A_108 = arith.constant 0 : index
    %get3A_109 = arith.constant 0 : index
    %get3A_110 = vector.load %arg22[%get3A_107, %get3A_108, %get3A_109] : memref<8x8x128xf32, #tpu.memory_space<vmem>>, vector<1x8x128xf32>
    %reshape3A_111 = vector.shape_cast %get3A_110 : vector<1x8x128xf32> to vector<8x128xf32>
    %eq3A_112 = arith.constant 4 : i32
    %eq3A_113 = arith.cmpi eq, %get3A_88, %eq3A_112 : i32
    %eq3A_114 = arith.constant 5 : i32
    %eq3A_115 = arith.cmpi eq, %get3A_88, %eq3A_114 : i32
    %ge3A_116 = arith.constant 0 : i32
    %ge3A_117 = arith.cmpi sge, %get3A_88, %ge3A_116 : i32
    %jit3A_118 = arith.constant 0.000000e+00 : f32
    %broadcast_in_dim3A_119 = vector.broadcast %jit3A_118 : f32 to vector<8x128xf32>
    %select_n3A_120 = arith.select %ge3A_117, %reshape3A_111, %broadcast_in_dim3A_119 : vector<8x128xf32>
    %select_n3A_121 = arith.select %eq3A_115, %reshape3A_102, %select_n3A_120 : vector<8x128xf32>
    %select_n3A_122 = arith.select %eq3A_113, %reshape3A_96, %select_n3A_121 : vector<8x128xf32>
    %reshape3A_123 = vector.shape_cast %select_n3A_122 : vector<8x128xf32> to vector<1x1x8x128xf32>
    %swap3A_124 = arith.constant 0 : index
    %swap3A_125 = arith.constant 2 : index
    %swap3A_126 = arith.constant 0 : index
    %swap3A_127 = arith.constant 0 : index
    %swap3A_128 = vector.load %arg23[%swap3A_124, %swap3A_125, %swap3A_126, %swap3A_127] : memref<1x16x8x128xf32, #tpu.memory_space<vmem>>, vector<1x1x8x128xf32>
    tpu.vector_store %arg23[%swap3A_124, %swap3A_125, %swap3A_126, %swap3A_127], %reshape3A_123 {strides = array<i32>} : memref<1x16x8x128xf32, #tpu.memory_space<vmem>>, vector<1x1x8x128xf32>,
    %mul3A_129 = arith.constant 16 : i32
    %mul3A_130 = arith.muli %arg1, %mul3A_129 : i32
    %add3A_131 = arith.constant 3 : i32
    %add3A_132 = arith.addi %mul3A_130, %add3A_131 : i32
    %get3A_133 = arith.index_cast %arg0 : i32 to index
    %get3A_134 = arith.index_cast %add3A_132 : i32 to index
    %get3A_135 = memref.load %arg4[%get3A_133, %get3A_134] : memref<8x2560xi32, #tpu.memory_space<smem>>
    %get3A_136 = arith.index_cast %arg0 : i32 to index
    %get3A_137 = arith.index_cast %add3A_132 : i32 to index
    %get3A_138 = memref.load %arg3[%get3A_136, %get3A_137] : memref<8x2560xi32, #tpu.memory_space<smem>>
    %get3A_139 = arith.constant 0 : index
    %get3A_140 = arith.constant 0 : index
    %get3A_141 = arith.constant 0 : index
    %get3A_142 = vector.load %arg8[%get3A_139, %get3A_140, %get3A_141] : memref<1x8x128xf32, #tpu.memory_space<vmem>>, vector<1x8x128xf32>
    %reshape3A_143 = vector.shape_cast %get3A_142 : vector<1x8x128xf32> to vector<8x128xf32>
    %get3A_144 = arith.constant 0 : index
    %get3A_145 = arith.index_cast %get3A_138 : i32 to index
    %get3A_146 = arith.constant 0 : index
    %get3A_147 = arith.constant 0 : index
    %get3A_148 = vector.load %arg21[%get3A_144, %get3A_145, %get3A_146, %get3A_147] : memref<1x512x8x128xf32, #tpu.memory_space<vmem>>, vector<1x1x8x128xf32>
    %reshape3A_149 = vector.shape_cast %get3A_148 : vector<1x1x8x128xf32> to vector<8x128xf32>
    %jit3A_150 = arith.constant 0 : i32
    %jit3A_151 = arith.constant 3 : i32
    %max3A_152 = arith.maxsi %jit3A_150, %get3A_135 : i32
    %min3A_153 = arith.minsi %jit3A_151, %max3A_152 : i32
    %get3A_154 = arith.index_cast %min3A_153 : i32 to index
    %get3A_155 = arith.constant 0 : index
    %get3A_156 = arith.constant 0 : index
    %get3A_157 = vector.load %arg22[%get3A_154, %get3A_155, %get3A_156] : memref<8x8x128xf32, #tpu.memory_space<vmem>>, vector<1x8x128xf32>
    %reshape3A_158 = vector.shape_cast %get3A_157 : vector<1x8x128xf32> to vector<8x128xf32>
    %eq3A_159 = arith.constant 4 : i32
    %eq3A_160 = arith.cmpi eq, %get3A_135, %eq3A_159 : i32
    %eq3A_161 = arith.constant 5 : i32
    %eq3A_162 = arith.cmpi eq, %get3A_135, %eq3A_161 : i32
    %ge3A_163 = arith.constant 0 : i32
    %ge3A_164 = arith.cmpi sge, %get3A_135, %ge3A_163 : i32
    %jit3A_165 = arith.constant 0.000000e+00 : f32
    %broadcast_in_dim3A_166 = vector.broadcast %jit3A_165 : f32 to vector<8x128xf32>
    %select_n3A_167 = arith.select %ge3A_164, %reshape3A_158, %broadcast_in_dim3A_166 : vector<8x128xf32>
    %select_n3A_168 = arith.select %eq3A_162, %reshape3A_149, %select_n3A_167 : vector<8x128xf32>
    %select_n3A_169 = arith.select %eq3A_160, %reshape3A_143, %select_n3A_168 : vector<8x128xf32>
    %reshape3A_170 = vector.shape_cast %select_n3A_169 : vector<8x128xf32> to vector<1x1x8x128xf32>
    %swap3A_171 = arith.constant 0 : index
    %swap3A_172 = arith.constant 3 : index
    %swap3A_173 = arith.constant 0 : index
    %swap3A_174 = arith.constant 0 : index
    %swap3A_175 = vector.load %arg23[%swap3A_171, %swap3A_172, %swap3A_173, %swap3A_174] : memref<1x16x8x128xf32, #tpu.memory_space<vmem>>, vector<1x1x8x128xf32>
    tpu.vector_store %arg23[%swap3A_171, %swap3A_172, %swap3A_173, %swap3A_174], %reshape3A_170 {strides = array<i32>} : memref<1x16x8x128xf32, #tpu.memory_space<vmem>>, vector<1x1x8x128xf32>,
    %mul3A_176 = arith.constant 16 : i32
    %mul3A_177 = arith.muli %arg1, %mul3A_176 : i32
    %add3A_178 = arith.constant 4 : i32
    %add3A_179 = arith.addi %mul3A_177, %add3A_178 : i32
    %get3A_180 = arith.index_cast %arg0 : i32 to index
    %get3A_181 = arith.index_cast %add3A_179 : i32 to index
    %get3A_182 = memref.load %arg4[%get3A_180, %get3A_181] : memref<8x2560xi32, #tpu.memory_space<smem>>
    %get3A_183 = arith.index_cast %arg0 : i32 to index
    %get3A_184 = arith.index_cast %add3A_179 : i32 to index
    %get3A_185 = memref.load %arg3[%get3A_183, %get3A_184] : memref<8x2560xi32, #tpu.memory_space<smem>>
    %get3A_186 = arith.constant 0 : index
    %get3A_187 = arith.constant 0 : index
    %get3A_188 = arith.constant 0 : index
    %get3A_189 = vector.load %arg9[%get3A_186, %get3A_187, %get3A_188] : memref<1x8x128xf32, #tpu.memory_space<vmem>>, vector<1x8x128xf32>
    %reshape3A_190 = vector.shape_cast %get3A_189 : vector<1x8x128xf32> to vector<8x128xf32>
    %get3A_191 = arith.constant 0 : index
    %get3A_192 = arith.index_cast %get3A_185 : i32 to index
    %get3A_193 = arith.constant 0 : index
    %get3A_194 = arith.constant 0 : index
    %get3A_195 = vector.load %arg21[%get3A_191, %get3A_192, %get3A_193, %get3A_194] : memref<1x512x8x128xf32, #tpu.memory_space<vmem>>, vector<1x1x8x128xf32>
    %reshape3A_196 = vector.shape_cast %get3A_195 : vector<1x1x8x128xf32> to vector<8x128xf32>
    %jit3A_197 = arith.constant 0 : i32
    %jit3A_198 = arith.constant 3 : i32
    %max3A_199 = arith.maxsi %jit3A_197, %get3A_182 : i32
    %min3A_200 = arith.minsi %jit3A_198, %max3A_199 : i32
    %get3A_201 = arith.index_cast %min3A_200 : i32 to index
    %get3A_202 = arith.constant 0 : index
    %get3A_203 = arith.constant 0 : index
    %get3A_204 = vector.load %arg22[%get3A_201, %get3A_202, %get3A_203] : memref<8x8x128xf32, #tpu.memory_space<vmem>>, vector<1x8x128xf32>
    %reshape3A_205 = vector.shape_cast %get3A_204 : vector<1x8x128xf32> to vector<8x128xf32>
    %eq3A_206 = arith.constant 4 : i32
    %eq3A_207 = arith.cmpi eq, %get3A_182, %eq3A_206 : i32
    %eq3A_208 = arith.constant 5 : i32
    %eq3A_209 = arith.cmpi eq, %get3A_182, %eq3A_208 : i32
    %ge3A_210 = arith.constant 0 : i32
    %ge3A_211 = arith.cmpi sge, %get3A_182, %ge3A_210 : i32
    %jit3A_212 = arith.constant 0.000000e+00 : f32
    %broadcast_in_dim3A_213 = vector.broadcast %jit3A_212 : f32 to vector<8x128xf32>
    %select_n3A_214 = arith.select %ge3A_211, %reshape3A_205, %broadcast_in_dim3A_213 : vector<8x128xf32>
    %select_n3A_215 = arith.select %eq3A_209, %reshape3A_196, %select_n3A_214 : vector<8x128xf32>
    %select_n3A_216 = arith.select %eq3A_207, %reshape3A_190, %select_n3A_215 : vector<8x128xf32>
    %reshape3A_217 = vector.shape_cast %select_n3A_216 : vector<8x128xf32> to vector<1x1x8x128xf32>
    %swap3A_218 = arith.constant 0 : index
    %swap3A_219 = arith.constant 4 : index
    %swap3A_220 = arith.constant 0 : index
    %swap3A_221 = arith.constant 0 : index
    %swap3A_222 = vector.load %arg23[%swap3A_218, %swap3A_219, %swap3A_220, %swap3A_221] : memref<1x16x8x128xf32, #tpu.memory_space<vmem>>, vector<1x1x8x128xf32>
    tpu.vector_store %arg23[%swap3A_218, %swap3A_219, %swap3A_220, %swap3A_221], %reshape3A_217 {strides = array<i32>} : memref<1x16x8x128xf32, #tpu.memory_space<vmem>>, vector<1x1x8x128xf32>,
    %mul3A_223 = arith.constant 16 : i32
    %mul3A_224 = arith.muli %arg1, %mul3A_223 : i32
    %add3A_225 = arith.constant 5 : i32
    %add3A_226 = arith.addi %mul3A_224, %add3A_225 : i32
    %get3A_227 = arith.index_cast %arg0 : i32 to index
    %get3A_228 = arith.index_cast %add3A_226 : i32 to index
    %get3A_229 = memref.load %arg4[%get3A_227, %get3A_228] : memref<8x2560xi32, #tpu.memory_space<smem>>
    %get3A_230 = arith.index_cast %arg0 : i32 to index
    %get3A_231 = arith.index_cast %add3A_226 : i32 to index
    %get3A_232 = memref.load %arg3[%get3A_230, %get3A_231] : memref<8x2560xi32, #tpu.memory_space<smem>>
    %get3A_233 = arith.constant 0 : index
    %get3A_234 = arith.constant 0 : index
    %get3A_235 = arith.constant 0 : index
    %get3A_236 = vector.load %arg10[%get3A_233, %get3A_234, %get3A_235] : memref<1x8x128xf32, #tpu.memory_space<vmem>>, vector<1x8x128xf32>
    %reshape3A_237 = vector.shape_cast %get3A_236 : vector<1x8x128xf32> to vector<8x128xf32>
    %get3A_238 = arith.constant 0 : index
    %get3A_239 = arith.index_cast %get3A_232 : i32 to index
    %get3A_240 = arith.constant 0 : index
    %get3A_241 = arith.constant 0 : index
    %get3A_242 = vector.load %arg21[%get3A_238, %get3A_239, %get3A_240, %get3A_241] : memref<1x512x8x128xf32, #tpu.memory_space<vmem>>, vector<1x1x8x128xf32>
    %reshape3A_243 = vector.shape_cast %get3A_242 : vector<1x1x8x128xf32> to vector<8x128xf32>
    %jit3A_244 = arith.constant 0 : i32
    %jit3A_245 = arith.constant 3 : i32
    %max3A_246 = arith.maxsi %jit3A_244, %get3A_229 : i32
    %min3A_247 = arith.minsi %jit3A_245, %max3A_246 : i32
    %get3A_248 = arith.index_cast %min3A_247 : i32 to index
    %get3A_249 = arith.constant 0 : index
    %get3A_250 = arith.constant 0 : index
    %get3A_251 = vector.load %arg22[%get3A_248, %get3A_249, %get3A_250] : memref<8x8x128xf32, #tpu.memory_space<vmem>>, vector<1x8x128xf32>
    %reshape3A_252 = vector.shape_cast %get3A_251 : vector<1x8x128xf32> to vector<8x128xf32>
    %eq3A_253 = arith.constant 4 : i32
    %eq3A_254 = arith.cmpi eq, %get3A_229, %eq3A_253 : i32
    %eq3A_255 = arith.constant 5 : i32
    %eq3A_256 = arith.cmpi eq, %get3A_229, %eq3A_255 : i32
    %ge3A_257 = arith.constant 0 : i32
    %ge3A_258 = arith.cmpi sge, %get3A_229, %ge3A_257 : i32
    %jit3A_259 = arith.constant 0.000000e+00 : f32
    %broadcast_in_dim3A_260 = vector.broadcast %jit3A_259 : f32 to vector<8x128xf32>
    %select_n3A_261 = arith.select %ge3A_258, %reshape3A_252, %broadcast_in_dim3A_260 : vector<8x128xf32>
    %select_n3A_262 = arith.select %eq3A_256, %reshape3A_243, %select_n3A_261 : vector<8x128xf32>
    %select_n3A_263 = arith.select %eq3A_254, %reshape3A_237, %select_n3A_262 : vector<8x128xf32>
    %reshape3A_264 = vector.shape_cast %select_n3A_263 : vector<8x128xf32> to vector<1x1x8x128xf32>
    %swap3A_265 = arith.constant 0 : index
    %swap3A_266 = arith.constant 5 : index
    %swap3A_267 = arith.constant 0 : index
    %swap3A_268 = arith.constant 0 : index
    %swap3A_269 = vector.load %arg23[%swap3A_265, %swap3A_266, %swap3A_267, %swap3A_268] : memref<1x16x8x128xf32, #tpu.memory_space<vmem>>, vector<1x1x8x128xf32>
    tpu.vector_store %arg23[%swap3A_265, %swap3A_266, %swap3A_267, %swap3A_268], %reshape3A_264 {strides = array<i32>} : memref<1x16x8x128xf32, #tpu.memory_space<vmem>>, vector<1x1x8x128xf32>,
    %mul3A_270 = arith.constant 16 : i32
    %mul3A_271 = arith.muli %arg1, %mul3A_270 : i32
    %add3A_272 = arith.constant 6 : i32
    %add3A_273 = arith.addi %mul3A_271, %add3A_272 : i32
    %get3A_274 = arith.index_cast %arg0 : i32 to index
    %get3A_275 = arith.index_cast %add3A_273 : i32 to index
    %get3A_276 = memref.load %arg4[%get3A_274, %get3A_275] : memref<8x2560xi32, #tpu.memory_space<smem>>
    %get3A_277 = arith.index_cast %arg0 : i32 to index
    %get3A_278 = arith.index_cast %add3A_273 : i32 to index
    %get3A_279 = memref.load %arg3[%get3A_277, %get3A_278] : memref<8x2560xi32, #tpu.memory_space<smem>>
    %get3A_280 = arith.constant 0 : index
    %get3A_281 = arith.constant 0 : index
    %get3A_282 = arith.constant 0 : index
    %get3A_283 = vector.load %arg11[%get3A_280, %get3A_281, %get3A_282] : memref<1x8x128xf32, #tpu.memory_space<vmem>>, vector<1x8x128xf32>
    %reshape3A_284 = vector.shape_cast %get3A_283 : vector<1x8x128xf32> to vector<8x128xf32>
    %get3A_285 = arith.constant 0 : index
    %get3A_286 = arith.index_cast %get3A_279 : i32 to index
    %get3A_287 = arith.constant 0 : index
    %get3A_288 = arith.constant 0 : index
    %get3A_289 = vector.load %arg21[%get3A_285, %get3A_286, %get3A_287, %get3A_288] : memref<1x512x8x128xf32, #tpu.memory_space<vmem>>, vector<1x1x8x128xf32>
    %reshape3A_290 = vector.shape_cast %get3A_289 : vector<1x1x8x128xf32> to vector<8x128xf32>
    %jit3A_291 = arith.constant 0 : i32
    %jit3A_292 = arith.constant 3 : i32
    %max3A_293 = arith.maxsi %jit3A_291, %get3A_276 : i32
    %min3A_294 = arith.minsi %jit3A_292, %max3A_293 : i32
    %get3A_295 = arith.index_cast %min3A_294 : i32 to index
    %get3A_296 = arith.constant 0 : index
    %get3A_297 = arith.constant 0 : index
    %get3A_298 = vector.load %arg22[%get3A_295, %get3A_296, %get3A_297] : memref<8x8x128xf32, #tpu.memory_space<vmem>>, vector<1x8x128xf32>
    %reshape3A_299 = vector.shape_cast %get3A_298 : vector<1x8x128xf32> to vector<8x128xf32>
    %eq3A_300 = arith.constant 4 : i32
    %eq3A_301 = arith.cmpi eq, %get3A_276, %eq3A_300 : i32
    %eq3A_302 = arith.constant 5 : i32
    %eq3A_303 = arith.cmpi eq, %get3A_276, %eq3A_302 : i32
    %ge3A_304 = arith.constant 0 : i32
    %ge3A_305 = arith.cmpi sge, %get3A_276, %ge3A_304 : i32
    %jit3A_306 = arith.constant 0.000000e+00 : f32
    %broadcast_in_dim3A_307 = vector.broadcast %jit3A_306 : f32 to vector<8x128xf32>
    %select_n3A_308 = arith.select %ge3A_305, %reshape3A_299, %broadcast_in_dim3A_307 : vector<8x128xf32>
    %select_n3A_309 = arith.select %eq3A_303, %reshape3A_290, %select_n3A_308 : vector<8x128xf32>
    %select_n3A_310 = arith.select %eq3A_301, %reshape3A_284, %select_n3A_309 : vector<8x128xf32>
    %reshape3A_311 = vector.shape_cast %select_n3A_310 : vector<8x128xf32> to vector<1x1x8x128xf32>
    %swap3A_312 = arith.constant 0 : index
    %swap3A_313 = arith.constant 6 : index
    %swap3A_314 = arith.constant 0 : index
    %swap3A_315 = arith.constant 0 : index
    %swap3A_316 = vector.load %arg23[%swap3A_312, %swap3A_313, %swap3A_314, %swap3A_315] : memref<1x16x8x128xf32, #tpu.memory_space<vmem>>, vector<1x1x8x128xf32>
    tpu.vector_store %arg23[%swap3A_312, %swap3A_313, %swap3A_314, %swap3A_315], %reshape3A_311 {strides = array<i32>} : memref<1x16x8x128xf32, #tpu.memory_space<vmem>>, vector<1x1x8x128xf32>,
    %mul3A_317 = arith.constant 16 : i32
    %mul3A_318 = arith.muli %arg1, %mul3A_317 : i32
    %add3A_319 = arith.constant 7 : i32
    %add3A_320 = arith.addi %mul3A_318, %add3A_319 : i32
    %get3A_321 = arith.index_cast %arg0 : i32 to index
    %get3A_322 = arith.index_cast %add3A_320 : i32 to index
    %get3A_323 = memref.load %arg4[%get3A_321, %get3A_322] : memref<8x2560xi32, #tpu.memory_space<smem>>
    %get3A_324 = arith.index_cast %arg0 : i32 to index
    %get3A_325 = arith.index_cast %add3A_320 : i32 to index
    %get3A_326 = memref.load %arg3[%get3A_324, %get3A_325] : memref<8x2560xi32, #tpu.memory_space<smem>>
    %get3A_327 = arith.constant 0 : index
    %get3A_328 = arith.constant 0 : index
    %get3A_329 = arith.constant 0 : index
    %get3A_330 = vector.load %arg12[%get3A_327, %get3A_328, %get3A_329] : memref<1x8x128xf32, #tpu.memory_space<vmem>>, vector<1x8x128xf32>
    %reshape3A_331 = vector.shape_cast %get3A_330 : vector<1x8x128xf32> to vector<8x128xf32>
    %get3A_332 = arith.constant 0 : index
    %get3A_333 = arith.index_cast %get3A_326 : i32 to index
    %get3A_334 = arith.constant 0 : index
    %get3A_335 = arith.constant 0 : index
    %get3A_336 = vector.load %arg21[%get3A_332, %get3A_333, %get3A_334, %get3A_335] : memref<1x512x8x128xf32, #tpu.memory_space<vmem>>, vector<1x1x8x128xf32>
    %reshape3A_337 = vector.shape_cast %get3A_336 : vector<1x1x8x128xf32> to vector<8x128xf32>
    %jit3A_338 = arith.constant 0 : i32
    %jit3A_339 = arith.constant 3 : i32
    %max3A_340 = arith.maxsi %jit3A_338, %get3A_323 : i32
    %min3A_341 = arith.minsi %jit3A_339, %max3A_340 : i32
    %get3A_342 = arith.index_cast %min3A_341 : i32 to index
    %get3A_343 = arith.constant 0 : index
    %get3A_344 = arith.constant 0 : index
    %get3A_345 = vector.load %arg22[%get3A_342, %get3A_343, %get3A_344] : memref<8x8x128xf32, #tpu.memory_space<vmem>>, vector<1x8x128xf32>
    %reshape3A_346 = vector.shape_cast %get3A_345 : vector<1x8x128xf32> to vector<8x128xf32>
    %eq3A_347 = arith.constant 4 : i32
    %eq3A_348 = arith.cmpi eq, %get3A_323, %eq3A_347 : i32
    %eq3A_349 = arith.constant 5 : i32
    %eq3A_350 = arith.cmpi eq, %get3A_323, %eq3A_349 : i32
    %ge3A_351 = arith.constant 0 : i32
    %ge3A_352 = arith.cmpi sge, %get3A_323, %ge3A_351 : i32
    %jit3A_353 = arith.constant 0.000000e+00 : f32
    %broadcast_in_dim3A_354 = vector.broadcast %jit3A_353 : f32 to vector<8x128xf32>
    %select_n3A_355 = arith.select %ge3A_352, %reshape3A_346, %broadcast_in_dim3A_354 : vector<8x128xf32>
    %select_n3A_356 = arith.select %eq3A_350, %reshape3A_337, %select_n3A_355 : vector<8x128xf32>
    %select_n3A_357 = arith.select %eq3A_348, %reshape3A_331, %select_n3A_356 : vector<8x128xf32>
    %reshape3A_358 = vector.shape_cast %select_n3A_357 : vector<8x128xf32> to vector<1x1x8x128xf32>
    %swap3A_359 = arith.constant 0 : index
    %swap3A_360 = arith.constant 7 : index
    %swap3A_361 = arith.constant 0 : index
    %swap3A_362 = arith.constant 0 : index
    %swap3A_363 = vector.load %arg23[%swap3A_359, %swap3A_360, %swap3A_361, %swap3A_362] : memref<1x16x8x128xf32, #tpu.memory_space<vmem>>, vector<1x1x8x128xf32>
    tpu.vector_store %arg23[%swap3A_359, %swap3A_360, %swap3A_361, %swap3A_362], %reshape3A_358 {strides = array<i32>} : memref<1x16x8x128xf32, #tpu.memory_space<vmem>>, vector<1x1x8x128xf32>,
    %mul3A_364 = arith.constant 16 : i32
    %mul3A_365 = arith.muli %arg1, %mul3A_364 : i32
    %add3A_366 = arith.constant 8 : i32
    %add3A_367 = arith.addi %mul3A_365, %add3A_366 : i32
    %get3A_368 = arith.index_cast %arg0 : i32 to index
    %get3A_369 = arith.index_cast %add3A_367 : i32 to index
    %get3A_370 = memref.load %arg4[%get3A_368, %get3A_369] : memref<8x2560xi32, #tpu.memory_space<smem>>
    %get3A_371 = arith.index_cast %arg0 : i32 to index
    %get3A_372 = arith.index_cast %add3A_367 : i32 to index
    %get3A_373 = memref.load %arg3[%get3A_371, %get3A_372] : memref<8x2560xi32, #tpu.memory_space<smem>>
    %get3A_374 = arith.constant 0 : index
    %get3A_375 = arith.constant 0 : index
    %get3A_376 = arith.constant 0 : index
    %get3A_377 = vector.load %arg13[%get3A_374, %get3A_375, %get3A_376] : memref<1x8x128xf32, #tpu.memory_space<vmem>>, vector<1x8x128xf32>
    %reshape3A_378 = vector.shape_cast %get3A_377 : vector<1x8x128xf32> to vector<8x128xf32>
    %get3A_379 = arith.constant 0 : index
    %get3A_380 = arith.index_cast %get3A_373 : i32 to index
    %get3A_381 = arith.constant 0 : index
    %get3A_382 = arith.constant 0 : index
    %get3A_383 = vector.load %arg21[%get3A_379, %get3A_380, %get3A_381, %get3A_382] : memref<1x512x8x128xf32, #tpu.memory_space<vmem>>, vector<1x1x8x128xf32>
    %reshape3A_384 = vector.shape_cast %get3A_383 : vector<1x1x8x128xf32> to vector<8x128xf32>
    %jit3A_385 = arith.constant 0 : i32
    %jit3A_386 = arith.constant 3 : i32
    %max3A_387 = arith.maxsi %jit3A_385, %get3A_370 : i32
    %min3A_388 = arith.minsi %jit3A_386, %max3A_387 : i32
    %get3A_389 = arith.index_cast %min3A_388 : i32 to index
    %get3A_390 = arith.constant 0 : index
    %get3A_391 = arith.constant 0 : index
    %get3A_392 = vector.load %arg22[%get3A_389, %get3A_390, %get3A_391] : memref<8x8x128xf32, #tpu.memory_space<vmem>>, vector<1x8x128xf32>
    %reshape3A_393 = vector.shape_cast %get3A_392 : vector<1x8x128xf32> to vector<8x128xf32>
    %eq3A_394 = arith.constant 4 : i32
    %eq3A_395 = arith.cmpi eq, %get3A_370, %eq3A_394 : i32
    %eq3A_396 = arith.constant 5 : i32
    %eq3A_397 = arith.cmpi eq, %get3A_370, %eq3A_396 : i32
    %ge3A_398 = arith.constant 0 : i32
    %ge3A_399 = arith.cmpi sge, %get3A_370, %ge3A_398 : i32
    %jit3A_400 = arith.constant 0.000000e+00 : f32
    %broadcast_in_dim3A_401 = vector.broadcast %jit3A_400 : f32 to vector<8x128xf32>
    %select_n3A_402 = arith.select %ge3A_399, %reshape3A_393, %broadcast_in_dim3A_401 : vector<8x128xf32>
    %select_n3A_403 = arith.select %eq3A_397, %reshape3A_384, %select_n3A_402 : vector<8x128xf32>
    %select_n3A_404 = arith.select %eq3A_395, %reshape3A_378, %select_n3A_403 : vector<8x128xf32>
    %reshape3A_405 = vector.shape_cast %select_n3A_404 : vector<8x128xf32> to vector<1x1x8x128xf32>
    %swap3A_406 = arith.constant 0 : index
    %swap3A_407 = arith.constant 8 : index
    %swap3A_408 = arith.constant 0 : index
    %swap3A_409 = arith.constant 0 : index
    %swap3A_410 = vector.load %arg23[%swap3A_406, %swap3A_407, %swap3A_408, %swap3A_409] : memref<1x16x8x128xf32, #tpu.memory_space<vmem>>, vector<1x1x8x128xf32>
    tpu.vector_store %arg23[%swap3A_406, %swap3A_407, %swap3A_408, %swap3A_409], %reshape3A_405 {strides = array<i32>} : memref<1x16x8x128xf32, #tpu.memory_space<vmem>>, vector<1x1x8x128xf32>,
    %mul3A_411 = arith.constant 16 : i32
    %mul3A_412 = arith.muli %arg1, %mul3A_411 : i32
    %add3A_413 = arith.constant 9 : i32
    %add3A_414 = arith.addi %mul3A_412, %add3A_413 : i32
    %get3A_415 = arith.index_cast %arg0 : i32 to index
    %get3A_416 = arith.index_cast %add3A_414 : i32 to index
    %get3A_417 = memref.load %arg4[%get3A_415, %get3A_416] : memref<8x2560xi32, #tpu.memory_space<smem>>
    %get3A_418 = arith.index_cast %arg0 : i32 to index
    %get3A_419 = arith.index_cast %add3A_414 : i32 to index
    %get3A_420 = memref.load %arg3[%get3A_418, %get3A_419] : memref<8x2560xi32, #tpu.memory_space<smem>>
    %get3A_421 = arith.constant 0 : index
    %get3A_422 = arith.constant 0 : index
    %get3A_423 = arith.constant 0 : index
    %get3A_424 = vector.load %arg14[%get3A_421, %get3A_422, %get3A_423] : memref<1x8x128xf32, #tpu.memory_space<vmem>>, vector<1x8x128xf32>
    %reshape3A_425 = vector.shape_cast %get3A_424 : vector<1x8x128xf32> to vector<8x128xf32>
    %get3A_426 = arith.constant 0 : index
    %get3A_427 = arith.index_cast %get3A_420 : i32 to index
    %get3A_428 = arith.constant 0 : index
    %get3A_429 = arith.constant 0 : index
    %get3A_430 = vector.load %arg21[%get3A_426, %get3A_427, %get3A_428, %get3A_429] : memref<1x512x8x128xf32, #tpu.memory_space<vmem>>, vector<1x1x8x128xf32>
    %reshape3A_431 = vector.shape_cast %get3A_430 : vector<1x1x8x128xf32> to vector<8x128xf32>
    %jit3A_432 = arith.constant 0 : i32
    %jit3A_433 = arith.constant 3 : i32
    %max3A_434 = arith.maxsi %jit3A_432, %get3A_417 : i32
    %min3A_435 = arith.minsi %jit3A_433, %max3A_434 : i32
    %get3A_436 = arith.index_cast %min3A_435 : i32 to index
    %get3A_437 = arith.constant 0 : index
    %get3A_438 = arith.constant 0 : index
    %get3A_439 = vector.load %arg22[%get3A_436, %get3A_437, %get3A_438] : memref<8x8x128xf32, #tpu.memory_space<vmem>>, vector<1x8x128xf32>
    %reshape3A_440 = vector.shape_cast %get3A_439 : vector<1x8x128xf32> to vector<8x128xf32>
    %eq3A_441 = arith.constant 4 : i32
    %eq3A_442 = arith.cmpi eq, %get3A_417, %eq3A_441 : i32
    %eq3A_443 = arith.constant 5 : i32
    %eq3A_444 = arith.cmpi eq, %get3A_417, %eq3A_443 : i32
    %ge3A_445 = arith.constant 0 : i32
    %ge3A_446 = arith.cmpi sge, %get3A_417, %ge3A_445 : i32
    %jit3A_447 = arith.constant 0.000000e+00 : f32
    %broadcast_in_dim3A_448 = vector.broadcast %jit3A_447 : f32 to vector<8x128xf32>
    %select_n3A_449 = arith.select %ge3A_446, %reshape3A_440, %broadcast_in_dim3A_448 : vector<8x128xf32>
    %select_n3A_450 = arith.select %eq3A_444, %reshape3A_431, %select_n3A_449 : vector<8x128xf32>
    %select_n3A_451 = arith.select %eq3A_442, %reshape3A_425, %select_n3A_450 : vector<8x128xf32>
    %reshape3A_452 = vector.shape_cast %select_n3A_451 : vector<8x128xf32> to vector<1x1x8x128xf32>
    %swap3A_453 = arith.constant 0 : index
    %swap3A_454 = arith.constant 9 : index
    %swap3A_455 = arith.constant 0 : index
    %swap3A_456 = arith.constant 0 : index
    %swap3A_457 = vector.load %arg23[%swap3A_453, %swap3A_454, %swap3A_455, %swap3A_456] : memref<1x16x8x128xf32, #tpu.memory_space<vmem>>, vector<1x1x8x128xf32>
    tpu.vector_store %arg23[%swap3A_453, %swap3A_454, %swap3A_455, %swap3A_456], %reshape3A_452 {strides = array<i32>} : memref<1x16x8x128xf32, #tpu.memory_space<vmem>>, vector<1x1x8x128xf32>,
    %mul3A_458 = arith.constant 16 : i32
    %mul3A_459 = arith.muli %arg1, %mul3A_458 : i32
    %add3A_460 = arith.constant 10 : i32
    %add3A_461 = arith.addi %mul3A_459, %add3A_460 : i32
    %get3A_462 = arith.index_cast %arg0 : i32 to index
    %get3A_463 = arith.index_cast %add3A_461 : i32 to index
    %get3A_464 = memref.load %arg4[%get3A_462, %get3A_463] : memref<8x2560xi32, #tpu.memory_space<smem>>
    %get3A_465 = arith.index_cast %arg0 : i32 to index
    %get3A_466 = arith.index_cast %add3A_461 : i32 to index
    %get3A_467 = memref.load %arg3[%get3A_465, %get3A_466] : memref<8x2560xi32, #tpu.memory_space<smem>>
    %get3A_468 = arith.constant 0 : index
    %get3A_469 = arith.constant 0 : index
    %get3A_470 = arith.constant 0 : index
    %get3A_471 = vector.load %arg15[%get3A_468, %get3A_469, %get3A_470] : memref<1x8x128xf32, #tpu.memory_space<vmem>>, vector<1x8x128xf32>
    %reshape3A_472 = vector.shape_cast %get3A_471 : vector<1x8x128xf32> to vector<8x128xf32>
    %get3A_473 = arith.constant 0 : index
    %get3A_474 = arith.index_cast %get3A_467 : i32 to index
    %get3A_475 = arith.constant 0 : index
    %get3A_476 = arith.constant 0 : index
    %get3A_477 = vector.load %arg21[%get3A_473, %get3A_474, %get3A_475, %get3A_476] : memref<1x512x8x128xf32, #tpu.memory_space<vmem>>, vector<1x1x8x128xf32>
    %reshape3A_478 = vector.shape_cast %get3A_477 : vector<1x1x8x128xf32> to vector<8x128xf32>
    %jit3A_479 = arith.constant 0 : i32
    %jit3A_480 = arith.constant 3 : i32
    %max3A_481 = arith.maxsi %jit3A_479, %get3A_464 : i32
    %min3A_482 = arith.minsi %jit3A_480, %max3A_481 : i32
    %get3A_483 = arith.index_cast %min3A_482 : i32 to index
    %get3A_484 = arith.constant 0 : index
    %get3A_485 = arith.constant 0 : index
    %get3A_486 = vector.load %arg22[%get3A_483, %get3A_484, %get3A_485] : memref<8x8x128xf32, #tpu.memory_space<vmem>>, vector<1x8x128xf32>
    %reshape3A_487 = vector.shape_cast %get3A_486 : vector<1x8x128xf32> to vector<8x128xf32>
    %eq3A_488 = arith.constant 4 : i32
    %eq3A_489 = arith.cmpi eq, %get3A_464, %eq3A_488 : i32
    %eq3A_490 = arith.constant 5 : i32
    %eq3A_491 = arith.cmpi eq, %get3A_464, %eq3A_490 : i32
    %ge3A_492 = arith.constant 0 : i32
    %ge3A_493 = arith.cmpi sge, %get3A_464, %ge3A_492 : i32
    %jit3A_494 = arith.constant 0.000000e+00 : f32
    %broadcast_in_dim3A_495 = vector.broadcast %jit3A_494 : f32 to vector<8x128xf32>
    %select_n3A_496 = arith.select %ge3A_493, %reshape3A_487, %broadcast_in_dim3A_495 : vector<8x128xf32>
    %select_n3A_497 = arith.select %eq3A_491, %reshape3A_478, %select_n3A_496 : vector<8x128xf32>
    %select_n3A_498 = arith.select %eq3A_489, %reshape3A_472, %select_n3A_497 : vector<8x128xf32>
    %reshape3A_499 = vector.shape_cast %select_n3A_498 : vector<8x128xf32> to vector<1x1x8x128xf32>
    %swap3A_500 = arith.constant 0 : index
    %swap3A_501 = arith.constant 10 : index
    %swap3A_502 = arith.constant 0 : index
    %swap3A_503 = arith.constant 0 : index
    %swap3A_504 = vector.load %arg23[%swap3A_500, %swap3A_501, %swap3A_502, %swap3A_503] : memref<1x16x8x128xf32, #tpu.memory_space<vmem>>, vector<1x1x8x128xf32>
    tpu.vector_store %arg23[%swap3A_500, %swap3A_501, %swap3A_502, %swap3A_503], %reshape3A_499 {strides = array<i32>} : memref<1x16x8x128xf32, #tpu.memory_space<vmem>>, vector<1x1x8x128xf32>,
    %mul3A_505 = arith.constant 16 : i32
    %mul3A_506 = arith.muli %arg1, %mul3A_505 : i32
    %add3A_507 = arith.constant 11 : i32
    %add3A_508 = arith.addi %mul3A_506, %add3A_507 : i32
    %get3A_509 = arith.index_cast %arg0 : i32 to index
    %get3A_510 = arith.index_cast %add3A_508 : i32 to index
    %get3A_511 = memref.load %arg4[%get3A_509, %get3A_510] : memref<8x2560xi32, #tpu.memory_space<smem>>
    %get3A_512 = arith.index_cast %arg0 : i32 to index
    %get3A_513 = arith.index_cast %add3A_508 : i32 to index
    %get3A_514 = memref.load %arg3[%get3A_512, %get3A_513] : memref<8x2560xi32, #tpu.memory_space<smem>>
    %get3A_515 = arith.constant 0 : index
    %get3A_516 = arith.constant 0 : index
    %get3A_517 = arith.constant 0 : index
    %get3A_518 = vector.load %arg16[%get3A_515, %get3A_516, %get3A_517] : memref<1x8x128xf32, #tpu.memory_space<vmem>>, vector<1x8x128xf32>
    %reshape3A_519 = vector.shape_cast %get3A_518 : vector<1x8x128xf32> to vector<8x128xf32>
    %get3A_520 = arith.constant 0 : index
    %get3A_521 = arith.index_cast %get3A_514 : i32 to index
    %get3A_522 = arith.constant 0 : index
    %get3A_523 = arith.constant 0 : index
    %get3A_524 = vector.load %arg21[%get3A_520, %get3A_521, %get3A_522, %get3A_523] : memref<1x512x8x128xf32, #tpu.memory_space<vmem>>, vector<1x1x8x128xf32>
    %reshape3A_525 = vector.shape_cast %get3A_524 : vector<1x1x8x128xf32> to vector<8x128xf32>
    %jit3A_526 = arith.constant 0 : i32
    %jit3A_527 = arith.constant 3 : i32
    %max3A_528 = arith.maxsi %jit3A_526, %get3A_511 : i32
    %min3A_529 = arith.minsi %jit3A_527, %max3A_528 : i32
    %get3A_530 = arith.index_cast %min3A_529 : i32 to index
    %get3A_531 = arith.constant 0 : index
    %get3A_532 = arith.constant 0 : index
    %get3A_533 = vector.load %arg22[%get3A_530, %get3A_531, %get3A_532] : memref<8x8x128xf32, #tpu.memory_space<vmem>>, vector<1x8x128xf32>
    %reshape3A_534 = vector.shape_cast %get3A_533 : vector<1x8x128xf32> to vector<8x128xf32>
    %eq3A_535 = arith.constant 4 : i32
    %eq3A_536 = arith.cmpi eq, %get3A_511, %eq3A_535 : i32
    %eq3A_537 = arith.constant 5 : i32
    %eq3A_538 = arith.cmpi eq, %get3A_511, %eq3A_537 : i32
    %ge3A_539 = arith.constant 0 : i32
    %ge3A_540 = arith.cmpi sge, %get3A_511, %ge3A_539 : i32
    %jit3A_541 = arith.constant 0.000000e+00 : f32
    %broadcast_in_dim3A_542 = vector.broadcast %jit3A_541 : f32 to vector<8x128xf32>
    %select_n3A_543 = arith.select %ge3A_540, %reshape3A_534, %broadcast_in_dim3A_542 : vector<8x128xf32>
    %select_n3A_544 = arith.select %eq3A_538, %reshape3A_525, %select_n3A_543 : vector<8x128xf32>
    %select_n3A_545 = arith.select %eq3A_536, %reshape3A_519, %select_n3A_544 : vector<8x128xf32>
    %reshape3A_546 = vector.shape_cast %select_n3A_545 : vector<8x128xf32> to vector<1x1x8x128xf32>
    %swap3A_547 = arith.constant 0 : index
    %swap3A_548 = arith.constant 11 : index
    %swap3A_549 = arith.constant 0 : index
    %swap3A_550 = arith.constant 0 : index
    %swap3A_551 = vector.load %arg23[%swap3A_547, %swap3A_548, %swap3A_549, %swap3A_550] : memref<1x16x8x128xf32, #tpu.memory_space<vmem>>, vector<1x1x8x128xf32>
    tpu.vector_store %arg23[%swap3A_547, %swap3A_548, %swap3A_549, %swap3A_550], %reshape3A_546 {strides = array<i32>} : memref<1x16x8x128xf32, #tpu.memory_space<vmem>>, vector<1x1x8x128xf32>,
    %mul3A_552 = arith.constant 16 : i32
    %mul3A_553 = arith.muli %arg1, %mul3A_552 : i32
    %add3A_554 = arith.constant 12 : i32
    %add3A_555 = arith.addi %mul3A_553, %add3A_554 : i32
    %get3A_556 = arith.index_cast %arg0 : i32 to index
    %get3A_557 = arith.index_cast %add3A_555 : i32 to index
    %get3A_558 = memref.load %arg4[%get3A_556, %get3A_557] : memref<8x2560xi32, #tpu.memory_space<smem>>
    %get3A_559 = arith.index_cast %arg0 : i32 to index
    %get3A_560 = arith.index_cast %add3A_555 : i32 to index
    %get3A_561 = memref.load %arg3[%get3A_559, %get3A_560] : memref<8x2560xi32, #tpu.memory_space<smem>>
    %get3A_562 = arith.constant 0 : index
    %get3A_563 = arith.constant 0 : index
    %get3A_564 = arith.constant 0 : index
    %get3A_565 = vector.load %arg17[%get3A_562, %get3A_563, %get3A_564] : memref<1x8x128xf32, #tpu.memory_space<vmem>>, vector<1x8x128xf32>
    %reshape3A_566 = vector.shape_cast %get3A_565 : vector<1x8x128xf32> to vector<8x128xf32>
    %get3A_567 = arith.constant 0 : index
    %get3A_568 = arith.index_cast %get3A_561 : i32 to index
    %get3A_569 = arith.constant 0 : index
    %get3A_570 = arith.constant 0 : index
    %get3A_571 = vector.load %arg21[%get3A_567, %get3A_568, %get3A_569, %get3A_570] : memref<1x512x8x128xf32, #tpu.memory_space<vmem>>, vector<1x1x8x128xf32>
    %reshape3A_572 = vector.shape_cast %get3A_571 : vector<1x1x8x128xf32> to vector<8x128xf32>
    %jit3A_573 = arith.constant 0 : i32
    %jit3A_574 = arith.constant 3 : i32
    %max3A_575 = arith.maxsi %jit3A_573, %get3A_558 : i32
    %min3A_576 = arith.minsi %jit3A_574, %max3A_575 : i32
    %get3A_577 = arith.index_cast %min3A_576 : i32 to index
    %get3A_578 = arith.constant 0 : index
    %get3A_579 = arith.constant 0 : index
    %get3A_580 = vector.load %arg22[%get3A_577, %get3A_578, %get3A_579] : memref<8x8x128xf32, #tpu.memory_space<vmem>>, vector<1x8x128xf32>
    %reshape3A_581 = vector.shape_cast %get3A_580 : vector<1x8x128xf32> to vector<8x128xf32>
    %eq3A_582 = arith.constant 4 : i32
    %eq3A_583 = arith.cmpi eq, %get3A_558, %eq3A_582 : i32
    %eq3A_584 = arith.constant 5 : i32
    %eq3A_585 = arith.cmpi eq, %get3A_558, %eq3A_584 : i32
    %ge3A_586 = arith.constant 0 : i32
    %ge3A_587 = arith.cmpi sge, %get3A_558, %ge3A_586 : i32
    %jit3A_588 = arith.constant 0.000000e+00 : f32
    %broadcast_in_dim3A_589 = vector.broadcast %jit3A_588 : f32 to vector<8x128xf32>
    %select_n3A_590 = arith.select %ge3A_587, %reshape3A_581, %broadcast_in_dim3A_589 : vector<8x128xf32>
    %select_n3A_591 = arith.select %eq3A_585, %reshape3A_572, %select_n3A_590 : vector<8x128xf32>
    %select_n3A_592 = arith.select %eq3A_583, %reshape3A_566, %select_n3A_591 : vector<8x128xf32>
    %reshape3A_593 = vector.shape_cast %select_n3A_592 : vector<8x128xf32> to vector<1x1x8x128xf32>
    %swap3A_594 = arith.constant 0 : index
    %swap3A_595 = arith.constant 12 : index
    %swap3A_596 = arith.constant 0 : index
    %swap3A_597 = arith.constant 0 : index
    %swap3A_598 = vector.load %arg23[%swap3A_594, %swap3A_595, %swap3A_596, %swap3A_597] : memref<1x16x8x128xf32, #tpu.memory_space<vmem>>, vector<1x1x8x128xf32>
    tpu.vector_store %arg23[%swap3A_594, %swap3A_595, %swap3A_596, %swap3A_597], %reshape3A_593 {strides = array<i32>} : memref<1x16x8x128xf32, #tpu.memory_space<vmem>>, vector<1x1x8x128xf32>,
    %mul3A_599 = arith.constant 16 : i32
    %mul3A_600 = arith.muli %arg1, %mul3A_599 : i32
    %add3A_601 = arith.constant 13 : i32
    %add3A_602 = arith.addi %mul3A_600, %add3A_601 : i32
    %get3A_603 = arith.index_cast %arg0 : i32 to index
    %get3A_604 = arith.index_cast %add3A_602 : i32 to index
    %get3A_605 = memref.load %arg4[%get3A_603, %get3A_604] : memref<8x2560xi32, #tpu.memory_space<smem>>
    %get3A_606 = arith.index_cast %arg0 : i32 to index
    %get3A_607 = arith.index_cast %add3A_602 : i32 to index
    %get3A_608 = memref.load %arg3[%get3A_606, %get3A_607] : memref<8x2560xi32, #tpu.memory_space<smem>>
    %get3A_609 = arith.constant 0 : index
    %get3A_610 = arith.constant 0 : index
    %get3A_611 = arith.constant 0 : index
    %get3A_612 = vector.load %arg18[%get3A_609, %get3A_610, %get3A_611] : memref<1x8x128xf32, #tpu.memory_space<vmem>>, vector<1x8x128xf32>
    %reshape3A_613 = vector.shape_cast %get3A_612 : vector<1x8x128xf32> to vector<8x128xf32>
    %get3A_614 = arith.constant 0 : index
    %get3A_615 = arith.index_cast %get3A_608 : i32 to index
    %get3A_616 = arith.constant 0 : index
    %get3A_617 = arith.constant 0 : index
    %get3A_618 = vector.load %arg21[%get3A_614, %get3A_615, %get3A_616, %get3A_617] : memref<1x512x8x128xf32, #tpu.memory_space<vmem>>, vector<1x1x8x128xf32>
    %reshape3A_619 = vector.shape_cast %get3A_618 : vector<1x1x8x128xf32> to vector<8x128xf32>
    %jit3A_620 = arith.constant 0 : i32
    %jit3A_621 = arith.constant 3 : i32
    %max3A_622 = arith.maxsi %jit3A_620, %get3A_605 : i32
    %min3A_623 = arith.minsi %jit3A_621, %max3A_622 : i32
    %get3A_624 = arith.index_cast %min3A_623 : i32 to index
    %get3A_625 = arith.constant 0 : index
    %get3A_626 = arith.constant 0 : index
    %get3A_627 = vector.load %arg22[%get3A_624, %get3A_625, %get3A_626] : memref<8x8x128xf32, #tpu.memory_space<vmem>>, vector<1x8x128xf32>
    %reshape3A_628 = vector.shape_cast %get3A_627 : vector<1x8x128xf32> to vector<8x128xf32>
    %eq3A_629 = arith.constant 4 : i32
    %eq3A_630 = arith.cmpi eq, %get3A_605, %eq3A_629 : i32
    %eq3A_631 = arith.constant 5 : i32
    %eq3A_632 = arith.cmpi eq, %get3A_605, %eq3A_631 : i32
    %ge3A_633 = arith.constant 0 : i32
    %ge3A_634 = arith.cmpi sge, %get3A_605, %ge3A_633 : i32
    %jit3A_635 = arith.constant 0.000000e+00 : f32
    %broadcast_in_dim3A_636 = vector.broadcast %jit3A_635 : f32 to vector<8x128xf32>
    %select_n3A_637 = arith.select %ge3A_634, %reshape3A_628, %broadcast_in_dim3A_636 : vector<8x128xf32>
    %select_n3A_638 = arith.select %eq3A_632, %reshape3A_619, %select_n3A_637 : vector<8x128xf32>
    %select_n3A_639 = arith.select %eq3A_630, %reshape3A_613, %select_n3A_638 : vector<8x128xf32>
    %reshape3A_640 = vector.shape_cast %select_n3A_639 : vector<8x128xf32> to vector<1x1x8x128xf32>
    %swap3A_641 = arith.constant 0 : index
    %swap3A_642 = arith.constant 13 : index
    %swap3A_643 = arith.constant 0 : index
    %swap3A_644 = arith.constant 0 : index
    %swap3A_645 = vector.load %arg23[%swap3A_641, %swap3A_642, %swap3A_643, %swap3A_644] : memref<1x16x8x128xf32, #tpu.memory_space<vmem>>, vector<1x1x8x128xf32>
    tpu.vector_store %arg23[%swap3A_641, %swap3A_642, %swap3A_643, %swap3A_644], %reshape3A_640 {strides = array<i32>} : memref<1x16x8x128xf32, #tpu.memory_space<vmem>>, vector<1x1x8x128xf32>,
    %mul3A_646 = arith.constant 16 : i32
    %mul3A_647 = arith.muli %arg1, %mul3A_646 : i32
    %add3A_648 = arith.constant 14 : i32
    %add3A_649 = arith.addi %mul3A_647, %add3A_648 : i32
    %get3A_650 = arith.index_cast %arg0 : i32 to index
    %get3A_651 = arith.index_cast %add3A_649 : i32 to index
    %get3A_652 = memref.load %arg4[%get3A_650, %get3A_651] : memref<8x2560xi32, #tpu.memory_space<smem>>
    %get3A_653 = arith.index_cast %arg0 : i32 to index
    %get3A_654 = arith.index_cast %add3A_649 : i32 to index
    %get3A_655 = memref.load %arg3[%get3A_653, %get3A_654] : memref<8x2560xi32, #tpu.memory_space<smem>>
    %get3A_656 = arith.constant 0 : index
    %get3A_657 = arith.constant 0 : index
    %get3A_658 = arith.constant 0 : index
    %get3A_659 = vector.load %arg19[%get3A_656, %get3A_657, %get3A_658] : memref<1x8x128xf32, #tpu.memory_space<vmem>>, vector<1x8x128xf32>
    %reshape3A_660 = vector.shape_cast %get3A_659 : vector<1x8x128xf32> to vector<8x128xf32>
    %get3A_661 = arith.constant 0 : index
    %get3A_662 = arith.index_cast %get3A_655 : i32 to index
    %get3A_663 = arith.constant 0 : index
    %get3A_664 = arith.constant 0 : index
    %get3A_665 = vector.load %arg21[%get3A_661, %get3A_662, %get3A_663, %get3A_664] : memref<1x512x8x128xf32, #tpu.memory_space<vmem>>, vector<1x1x8x128xf32>
    %reshape3A_666 = vector.shape_cast %get3A_665 : vector<1x1x8x128xf32> to vector<8x128xf32>
    %jit3A_667 = arith.constant 0 : i32
    %jit3A_668 = arith.constant 3 : i32
    %max3A_669 = arith.maxsi %jit3A_667, %get3A_652 : i32
    %min3A_670 = arith.minsi %jit3A_668, %max3A_669 : i32
    %get3A_671 = arith.index_cast %min3A_670 : i32 to index
    %get3A_672 = arith.constant 0 : index
    %get3A_673 = arith.constant 0 : index
    %get3A_674 = vector.load %arg22[%get3A_671, %get3A_672, %get3A_673] : memref<8x8x128xf32, #tpu.memory_space<vmem>>, vector<1x8x128xf32>
    %reshape3A_675 = vector.shape_cast %get3A_674 : vector<1x8x128xf32> to vector<8x128xf32>
    %eq3A_676 = arith.constant 4 : i32
    %eq3A_677 = arith.cmpi eq, %get3A_652, %eq3A_676 : i32
    %eq3A_678 = arith.constant 5 : i32
    %eq3A_679 = arith.cmpi eq, %get3A_652, %eq3A_678 : i32
    %ge3A_680 = arith.constant 0 : i32
    %ge3A_681 = arith.cmpi sge, %get3A_652, %ge3A_680 : i32
    %jit3A_682 = arith.constant 0.000000e+00 : f32
    %broadcast_in_dim3A_683 = vector.broadcast %jit3A_682 : f32 to vector<8x128xf32>
    %select_n3A_684 = arith.select %ge3A_681, %reshape3A_675, %broadcast_in_dim3A_683 : vector<8x128xf32>
    %select_n3A_685 = arith.select %eq3A_679, %reshape3A_666, %select_n3A_684 : vector<8x128xf32>
    %select_n3A_686 = arith.select %eq3A_677, %reshape3A_660, %select_n3A_685 : vector<8x128xf32>
    %reshape3A_687 = vector.shape_cast %select_n3A_686 : vector<8x128xf32> to vector<1x1x8x128xf32>
    %swap3A_688 = arith.constant 0 : index
    %swap3A_689 = arith.constant 14 : index
    %swap3A_690 = arith.constant 0 : index
    %swap3A_691 = arith.constant 0 : index
    %swap3A_692 = vector.load %arg23[%swap3A_688, %swap3A_689, %swap3A_690, %swap3A_691] : memref<1x16x8x128xf32, #tpu.memory_space<vmem>>, vector<1x1x8x128xf32>
    tpu.vector_store %arg23[%swap3A_688, %swap3A_689, %swap3A_690, %swap3A_691], %reshape3A_687 {strides = array<i32>} : memref<1x16x8x128xf32, #tpu.memory_space<vmem>>, vector<1x1x8x128xf32>,
    %mul3A_693 = arith.constant 16 : i32
    %mul3A_694 = arith.muli %arg1, %mul3A_693 : i32
    %add3A_695 = arith.constant 15 : i32
    %add3A_696 = arith.addi %mul3A_694, %add3A_695 : i32
    %get3A_697 = arith.index_cast %arg0 : i32 to index
    %get3A_698 = arith.index_cast %add3A_696 : i32 to index
    %get3A_699 = memref.load %arg4[%get3A_697, %get3A_698] : memref<8x2560xi32, #tpu.memory_space<smem>>
    %get3A_700 = arith.index_cast %arg0 : i32 to index
    %get3A_701 = arith.index_cast %add3A_696 : i32 to index
    %get3A_702 = memref.load %arg3[%get3A_700, %get3A_701] : memref<8x2560xi32, #tpu.memory_space<smem>>
    %get3A_703 = arith.constant 0 : index
    %get3A_704 = arith.constant 0 : index
    %get3A_705 = arith.constant 0 : index
    %get3A_706 = vector.load %arg20[%get3A_703, %get3A_704, %get3A_705] : memref<1x8x128xf32, #tpu.memory_space<vmem>>, vector<1x8x128xf32>
    %reshape3A_707 = vector.shape_cast %get3A_706 : vector<1x8x128xf32> to vector<8x128xf32>
    %get3A_708 = arith.constant 0 : index
    %get3A_709 = arith.index_cast %get3A_702 : i32 to index
    %get3A_710 = arith.constant 0 : index
    %get3A_711 = arith.constant 0 : index
    %get3A_712 = vector.load %arg21[%get3A_708, %get3A_709, %get3A_710, %get3A_711] : memref<1x512x8x128xf32, #tpu.memory_space<vmem>>, vector<1x1x8x128xf32>
    %reshape3A_713 = vector.shape_cast %get3A_712 : vector<1x1x8x128xf32> to vector<8x128xf32>
    %jit3A_714 = arith.constant 0 : i32
    %jit3A_715 = arith.constant 3 : i32
    %max3A_716 = arith.maxsi %jit3A_714, %get3A_699 : i32
    %min3A_717 = arith.minsi %jit3A_715, %max3A_716 : i32
    %get3A_718 = arith.index_cast %min3A_717 : i32 to index
    %get3A_719 = arith.constant 0 : index
    %get3A_720 = arith.constant 0 : index
    %get3A_721 = vector.load %arg22[%get3A_718, %get3A_719, %get3A_720] : memref<8x8x128xf32, #tpu.memory_space<vmem>>, vector<1x8x128xf32>
    %reshape3A_722 = vector.shape_cast %get3A_721 : vector<1x8x128xf32> to vector<8x128xf32>
    %eq3A_723 = arith.constant 4 : i32
    %eq3A_724 = arith.cmpi eq, %get3A_699, %eq3A_723 : i32
    %eq3A_725 = arith.constant 5 : i32
    %eq3A_726 = arith.cmpi eq, %get3A_699, %eq3A_725 : i32
    %ge3A_727 = arith.constant 0 : i32
    %ge3A_728 = arith.cmpi sge, %get3A_699, %ge3A_727 : i32
    %jit3A_729 = arith.constant 0.000000e+00 : f32
    %broadcast_in_dim3A_730 = vector.broadcast %jit3A_729 : f32 to vector<8x128xf32>
    %select_n3A_731 = arith.select %ge3A_728, %reshape3A_722, %broadcast_in_dim3A_730 : vector<8x128xf32>
    %select_n3A_732 = arith.select %eq3A_726, %reshape3A_713, %select_n3A_731 : vector<8x128xf32>
    %select_n3A_733 = arith.select %eq3A_724, %reshape3A_707, %select_n3A_732 : vector<8x128xf32>
    %reshape3A_734 = vector.shape_cast %select_n3A_733 : vector<8x128xf32> to vector<1x1x8x128xf32>
    %swap3A_735 = arith.constant 0 : index
    %swap3A_736 = arith.constant 15 : index
    %swap3A_737 = arith.constant 0 : index
    %swap3A_738 = arith.constant 0 : index
    %swap3A_739 = vector.load %arg23[%swap3A_735, %swap3A_736, %swap3A_737, %swap3A_738] : memref<1x16x8x128xf32, #tpu.memory_space<vmem>>, vector<1x1x8x128xf32>
    tpu.vector_store %arg23[%swap3A_735, %swap3A_736, %swap3A_737, %swap3A_738], %reshape3A_734 {strides = array<i32>} : memref<1x16x8x128xf32, #tpu.memory_space<vmem>>, vector<1x1x8x128xf32>,
    return
  }
  func.func @transform_0(%arg0: i32, %arg1: i32, %arg2: memref<8x2560xi32, #tpu.memory_space<smem>>, %arg3: memref<8x2560xi32, #tpu.memory_space<smem>>, %arg4: memref<8x2560xi32, #tpu.memory_space<smem>>) -> (i32, i32, i32) {
    %mul3A = arith.constant 16 : i32
    %mul3A_0 = arith.muli %arg1, %mul3A : i32
    %add3A = arith.constant 0 : i32
    %add3A_1 = arith.addi %mul3A_0, %add3A : i32
    %get3A = arith.index_cast %arg0 : i32 to index
    %get3A_2 = arith.index_cast %add3A_1 : i32 to index
    %get3A_3 = memref.load %arg2[%get3A, %get3A_2] : memref<8x2560xi32, #tpu.memory_space<smem>>
    %c0_i32 = arith.constant 0 : i32
    %c0_i32_4 = arith.constant 0 : i32
    %c0_i32_5 = arith.constant 0 : i32
    return %get3A_3, %c0_i32, %c0_i32_4 : i32, i32, i32
  }
  func.func @transform_1(%arg0: i32, %arg1: i32, %arg2: memref<8x2560xi32, #tpu.memory_space<smem>>, %arg3: memref<8x2560xi32, #tpu.memory_space<smem>>, %arg4: memref<8x2560xi32, #tpu.memory_space<smem>>) -> (i32, i32, i32) {
    %mul3A = arith.constant 16 : i32
    %mul3A_0 = arith.muli %arg1, %mul3A : i32
    %add3A = arith.constant 1 : i32
    %add3A_1 = arith.addi %mul3A_0, %add3A : i32
    %get3A = arith.index_cast %arg0 : i32 to index
    %get3A_2 = arith.index_cast %add3A_1 : i32 to index
    %get3A_3 = memref.load %arg2[%get3A, %get3A_2] : memref<8x2560xi32, #tpu.memory_space<smem>>
    %c0_i32 = arith.constant 0 : i32
    %c0_i32_4 = arith.constant 0 : i32
    %c0_i32_5 = arith.constant 0 : i32
    return %get3A_3, %c0_i32, %c0_i32_4 : i32, i32, i32
  }
  func.func @transform_2(%arg0: i32, %arg1: i32, %arg2: memref<8x2560xi32, #tpu.memory_space<smem>>, %arg3: memref<8x2560xi32, #tpu.memory_space<smem>>, %arg4: memref<8x2560xi32, #tpu.memory_space<smem>>) -> (i32, i32, i32) {
    %mul3A = arith.constant 16 : i32
    %mul3A_0 = arith.muli %arg1, %mul3A : i32
    %add3A = arith.constant 2 : i32
    %add3A_1 = arith.addi %mul3A_0, %add3A : i32
    %get3A = arith.index_cast %arg0 : i32 to index
    %get3A_2 = arith.index_cast %add3A_1 : i32 to index
    %get3A_3 = memref.load %arg2[%get3A, %get3A_2] : memref<8x2560xi32, #tpu.memory_space<smem>>
    %c0_i32 = arith.constant 0 : i32
    %c0_i32_4 = arith.constant 0 : i32
    %c0_i32_5 = arith.constant 0 : i32
    return %get3A_3, %c0_i32, %c0_i32_4 : i32, i32, i32
  }
  func.func @transform_3(%arg0: i32, %arg1: i32, %arg2: memref<8x2560xi32, #tpu.memory_space<smem>>, %arg3: memref<8x2560xi32, #tpu.memory_space<smem>>, %arg4: memref<8x2560xi32, #tpu.memory_space<smem>>) -> (i32, i32, i32) {
    %mul3A = arith.constant 16 : i32
    %mul3A_0 = arith.muli %arg1, %mul3A : i32
    %add3A = arith.constant 3 : i32
    %add3A_1 = arith.addi %mul3A_0, %add3A : i32
    %get3A = arith.index_cast %arg0 : i32 to index
    %get3A_2 = arith.index_cast %add3A_1 : i32 to index
    %get3A_3 = memref.load %arg2[%get3A, %get3A_2] : memref<8x2560xi32, #tpu.memory_space<smem>>
    %c0_i32 = arith.constant 0 : i32
    %c0_i32_4 = arith.constant 0 : i32
    %c0_i32_5 = arith.constant 0 : i32
    return %get3A_3, %c0_i32, %c0_i32_4 : i32, i32, i32
  }
  func.func @transform_4(%arg0: i32, %arg1: i32, %arg2: memref<8x2560xi32, #tpu.memory_space<smem>>, %arg3: memref<8x2560xi32, #tpu.memory_space<smem>>, %arg4: memref<8x2560xi32, #tpu.memory_space<smem>>) -> (i32, i32, i32) {
    %mul3A = arith.constant 16 : i32
    %mul3A_0 = arith.muli %arg1, %mul3A : i32
    %add3A = arith.constant 4 : i32
    %add3A_1 = arith.addi %mul3A_0, %add3A : i32
    %get3A = arith.index_cast %arg0 : i32 to index
    %get3A_2 = arith.index_cast %add3A_1 : i32 to index
    %get3A_3 = memref.load %arg2[%get3A, %get3A_2] : memref<8x2560xi32, #tpu.memory_space<smem>>
    %c0_i32 = arith.constant 0 : i32
    %c0_i32_4 = arith.constant 0 : i32
    %c0_i32_5 = arith.constant 0 : i32
    return %get3A_3, %c0_i32, %c0_i32_4 : i32, i32, i32
  }
  func.func @transform_5(%arg0: i32, %arg1: i32, %arg2: memref<8x2560xi32, #tpu.memory_space<smem>>, %arg3: memref<8x2560xi32, #tpu.memory_space<smem>>, %arg4: memref<8x2560xi32, #tpu.memory_space<smem>>) -> (i32, i32, i32) {
    %mul3A = arith.constant 16 : i32
    %mul3A_0 = arith.muli %arg1, %mul3A : i32
    %add3A = arith.constant 5 : i32
    %add3A_1 = arith.addi %mul3A_0, %add3A : i32
    %get3A = arith.index_cast %arg0 : i32 to index
    %get3A_2 = arith.index_cast %add3A_1 : i32 to index
    %get3A_3 = memref.load %arg2[%get3A, %get3A_2] : memref<8x2560xi32, #tpu.memory_space<smem>>
    %c0_i32 = arith.constant 0 : i32
    %c0_i32_4 = arith.constant 0 : i32
    %c0_i32_5 = arith.constant 0 : i32
    return %get3A_3, %c0_i32, %c0_i32_4 : i32, i32, i32
  }
  func.func @transform_6(%arg0: i32, %arg1: i32, %arg2: memref<8x2560xi32, #tpu.memory_space<smem>>, %arg3: memref<8x2560xi32, #tpu.memory_space<smem>>, %arg4: memref<8x2560xi32, #tpu.memory_space<smem>>) -> (i32, i32, i32) {
    %mul3A = arith.constant 16 : i32
    %mul3A_0 = arith.muli %arg1, %mul3A : i32
    %add3A = arith.constant 6 : i32
    %add3A_1 = arith.addi %mul3A_0, %add3A : i32
    %get3A = arith.index_cast %arg0 : i32 to index
    %get3A_2 = arith.index_cast %add3A_1 : i32 to index
    %get3A_3 = memref.load %arg2[%get3A, %get3A_2] : memref<8x2560xi32, #tpu.memory_space<smem>>
    %c0_i32 = arith.constant 0 : i32
    %c0_i32_4 = arith.constant 0 : i32
    %c0_i32_5 = arith.constant 0 : i32
    return %get3A_3, %c0_i32, %c0_i32_4 : i32, i32, i32
  }
  func.func @transform_7(%arg0: i32, %arg1: i32, %arg2: memref<8x2560xi32, #tpu.memory_space<smem>>, %arg3: memref<8x2560xi32, #tpu.memory_space<smem>>, %arg4: memref<8x2560xi32, #tpu.memory_space<smem>>) -> (i32, i32, i32) {
    %mul3A = arith.constant 16 : i32
    %mul3A_0 = arith.muli %arg1, %mul3A : i32
    %add3A = arith.constant 7 : i32
    %add3A_1 = arith.addi %mul3A_0, %add3A : i32
    %get3A = arith.index_cast %arg0 : i32 to index
    %get3A_2 = arith.index_cast %add3A_1 : i32 to index
    %get3A_3 = memref.load %arg2[%get3A, %get3A_2] : memref<8x2560xi32, #tpu.memory_space<smem>>
    %c0_i32 = arith.constant 0 : i32
    %c0_i32_4 = arith.constant 0 : i32
    %c0_i32_5 = arith.constant 0 : i32
    return %get3A_3, %c0_i32, %c0_i32_4 : i32, i32, i32
  }
  func.func @transform_8(%arg0: i32, %arg1: i32, %arg2: memref<8x2560xi32, #tpu.memory_space<smem>>, %arg3: memref<8x2560xi32, #tpu.memory_space<smem>>, %arg4: memref<8x2560xi32, #tpu.memory_space<smem>>) -> (i32, i32, i32) {
    %mul3A = arith.constant 16 : i32
    %mul3A_0 = arith.muli %arg1, %mul3A : i32
    %add3A = arith.constant 8 : i32
    %add3A_1 = arith.addi %mul3A_0, %add3A : i32
    %get3A = arith.index_cast %arg0 : i32 to index
    %get3A_2 = arith.index_cast %add3A_1 : i32 to index
    %get3A_3 = memref.load %arg2[%get3A, %get3A_2] : memref<8x2560xi32, #tpu.memory_space<smem>>
    %c0_i32 = arith.constant 0 : i32
    %c0_i32_4 = arith.constant 0 : i32
    %c0_i32_5 = arith.constant 0 : i32
    return %get3A_3, %c0_i32, %c0_i32_4 : i32, i32, i32
  }
  func.func @transform_9(%arg0: i32, %arg1: i32, %arg2: memref<8x2560xi32, #tpu.memory_space<smem>>, %arg3: memref<8x2560xi32, #tpu.memory_space<smem>>, %arg4: memref<8x2560xi32, #tpu.memory_space<smem>>) -> (i32, i32, i32) {
    %mul3A = arith.constant 16 : i32
    %mul3A_0 = arith.muli %arg1, %mul3A : i32
    %add3A = arith.constant 9 : i32
    %add3A_1 = arith.addi %mul3A_0, %add3A : i32
    %get3A = arith.index_cast %arg0 : i32 to index
    %get3A_2 = arith.index_cast %add3A_1 : i32 to index
    %get3A_3 = memref.load %arg2[%get3A, %get3A_2] : memref<8x2560xi32, #tpu.memory_space<smem>>
    %c0_i32 = arith.constant 0 : i32
    %c0_i32_4 = arith.constant 0 : i32
    %c0_i32_5 = arith.constant 0 : i32
    return %get3A_3, %c0_i32, %c0_i32_4 : i32, i32, i32
  }
  func.func @transform_10(%arg0: i32, %arg1: i32, %arg2: memref<8x2560xi32, #tpu.memory_space<smem>>, %arg3: memref<8x2560xi32, #tpu.memory_space<smem>>, %arg4: memref<8x2560xi32, #tpu.memory_space<smem>>) -> (i32, i32, i32) {
    %mul3A = arith.constant 16 : i32
    %mul3A_0 = arith.muli %arg1, %mul3A : i32
    %add3A = arith.constant 10 : i32
    %add3A_1 = arith.addi %mul3A_0, %add3A : i32
    %get3A = arith.index_cast %arg0 : i32 to index
    %get3A_2 = arith.index_cast %add3A_1 : i32 to index
    %get3A_3 = memref.load %arg2[%get3A, %get3A_2] : memref<8x2560xi32, #tpu.memory_space<smem>>
    %c0_i32 = arith.constant 0 : i32
    %c0_i32_4 = arith.constant 0 : i32
    %c0_i32_5 = arith.constant 0 : i32
    return %get3A_3, %c0_i32, %c0_i32_4 : i32, i32, i32
  }
  func.func @transform_11(%arg0: i32, %arg1: i32, %arg2: memref<8x2560xi32, #tpu.memory_space<smem>>, %arg3: memref<8x2560xi32, #tpu.memory_space<smem>>, %arg4: memref<8x2560xi32, #tpu.memory_space<smem>>) -> (i32, i32, i32) {
    %mul3A = arith.constant 16 : i32
    %mul3A_0 = arith.muli %arg1, %mul3A : i32
    %add3A = arith.constant 11 : i32
    %add3A_1 = arith.addi %mul3A_0, %add3A : i32
    %get3A = arith.index_cast %arg0 : i32 to index
    %get3A_2 = arith.index_cast %add3A_1 : i32 to index
    %get3A_3 = memref.load %arg2[%get3A, %get3A_2] : memref<8x2560xi32, #tpu.memory_space<smem>>
    %c0_i32 = arith.constant 0 : i32
    %c0_i32_4 = arith.constant 0 : i32
    %c0_i32_5 = arith.constant 0 : i32
    return %get3A_3, %c0_i32, %c0_i32_4 : i32, i32, i32
  }
  func.func @transform_12(%arg0: i32, %arg1: i32, %arg2: memref<8x2560xi32, #tpu.memory_space<smem>>, %arg3: memref<8x2560xi32, #tpu.memory_space<smem>>, %arg4: memref<8x2560xi32, #tpu.memory_space<smem>>) -> (i32, i32, i32) {
    %mul3A = arith.constant 16 : i32
    %mul3A_0 = arith.muli %arg1, %mul3A : i32
    %add3A = arith.constant 12 : i32
    %add3A_1 = arith.addi %mul3A_0, %add3A : i32
    %get3A = arith.index_cast %arg0 : i32 to index
    %get3A_2 = arith.index_cast %add3A_1 : i32 to index
    %get3A_3 = memref.load %arg2[%get3A, %get3A_2] : memref<8x2560xi32, #tpu.memory_space<smem>>
    %c0_i32 = arith.constant 0 : i32
    %c0_i32_4 = arith.constant 0 : i32
    %c0_i32_5 = arith.constant 0 : i32
    return %get3A_3, %c0_i32, %c0_i32_4 : i32, i32, i32
  }
  func.func @transform_13(%arg0: i32, %arg1: i32, %arg2: memref<8x2560xi32, #tpu.memory_space<smem>>, %arg3: memref<8x2560xi32, #tpu.memory_space<smem>>, %arg4: memref<8x2560xi32, #tpu.memory_space<smem>>) -> (i32, i32, i32) {
    %mul3A = arith.constant 16 : i32
    %mul3A_0 = arith.muli %arg1, %mul3A : i32
    %add3A = arith.constant 13 : i32
    %add3A_1 = arith.addi %mul3A_0, %add3A : i32
    %get3A = arith.index_cast %arg0 : i32 to index
    %get3A_2 = arith.index_cast %add3A_1 : i32 to index
    %get3A_3 = memref.load %arg2[%get3A, %get3A_2] : memref<8x2560xi32, #tpu.memory_space<smem>>
    %c0_i32 = arith.constant 0 : i32
    %c0_i32_4 = arith.constant 0 : i32
    %c0_i32_5 = arith.constant 0 : i32
    return %get3A_3, %c0_i32, %c0_i32_4 : i32, i32, i32
  }
  func.func @transform_14(%arg0: i32, %arg1: i32, %arg2: memref<8x2560xi32, #tpu.memory_space<smem>>, %arg3: memref<8x2560xi32, #tpu.memory_space<smem>>, %arg4: memref<8x2560xi32, #tpu.memory_space<smem>>) -> (i32, i32, i32) {
    %mul3A = arith.constant 16 : i32
    %mul3A_0 = arith.muli %arg1, %mul3A : i32
    %add3A = arith.constant 14 : i32
    %add3A_1 = arith.addi %mul3A_0, %add3A : i32
    %get3A = arith.index_cast %arg0 : i32 to index
    %get3A_2 = arith.index_cast %add3A_1 : i32 to index
    %get3A_3 = memref.load %arg2[%get3A, %get3A_2] : memref<8x2560xi32, #tpu.memory_space<smem>>
    %c0_i32 = arith.constant 0 : i32
    %c0_i32_4 = arith.constant 0 : i32
    %c0_i32_5 = arith.constant 0 : i32
    return %get3A_3, %c0_i32, %c0_i32_4 : i32, i32, i32
  }
  func.func @transform_15(%arg0: i32, %arg1: i32, %arg2: memref<8x2560xi32, #tpu.memory_space<smem>>, %arg3: memref<8x2560xi32, #tpu.memory_space<smem>>, %arg4: memref<8x2560xi32, #tpu.memory_space<smem>>) -> (i32, i32, i32) {
    %mul3A = arith.constant 16 : i32
    %mul3A_0 = arith.muli %arg1, %mul3A : i32
    %add3A = arith.constant 15 : i32
    %add3A_1 = arith.addi %mul3A_0, %add3A : i32
    %get3A = arith.index_cast %arg0 : i32 to index
    %get3A_2 = arith.index_cast %add3A_1 : i32 to index
    %get3A_3 = memref.load %arg2[%get3A, %get3A_2] : memref<8x2560xi32, #tpu.memory_space<smem>>
    %c0_i32 = arith.constant 0 : i32
    %c0_i32_4 = arith.constant 0 : i32
    %c0_i32_5 = arith.constant 0 : i32
    return %get3A_3, %c0_i32, %c0_i32_4 : i32, i32, i32
  }
  func.func @transform_16(%arg0: i32, %arg1: i32, %arg2: memref<8x2560xi32, #tpu.memory_space<smem>>, %arg3: memref<8x2560xi32, #tpu.memory_space<smem>>, %arg4: memref<8x2560xi32, #tpu.memory_space<smem>>) -> (i32, i32, i32, i32) {
    %c0_i32 = arith.constant 0 : i32
    %c0_i32_0 = arith.constant 0 : i32
    %c0_i32_1 = arith.constant 0 : i32
    %c0_i32_2 = arith.constant 0 : i32
    return %arg0, %c0_i32, %c0_i32_0, %c0_i32_1 : i32, i32, i32, i32
  }
  func.func @transform_17(%arg0: i32, %arg1: i32, %arg2: memref<8x2560xi32, #tpu.memory_space<smem>>, %arg3: memref<8x2560xi32, #tpu.memory_space<smem>>, %arg4: memref<8x2560xi32, #tpu.memory_space<smem>>) -> (i32, i32, i32) {
    %c0_i32 = arith.constant 0 : i32
    %c0_i32_0 = arith.constant 0 : i32
    %c0_i32_1 = arith.constant 0 : i32
    %c0_i32_2 = arith.constant 0 : i32
    return %c0_i32, %c0_i32_0, %c0_i32_1 : i32, i32, i32
  }
  func.func @transform_18(%arg0: i32, %arg1: i32, %arg2: memref<8x2560xi32, #tpu.memory_space<smem>>, %arg3: memref<8x2560xi32, #tpu.memory_space<smem>>, %arg4: memref<8x2560xi32, #tpu.memory_space<smem>>) -> (i32, i32, i32, i32) {
    %c0_i32 = arith.constant 0 : i32
    %c0_i32_0 = arith.constant 0 : i32
    %c0_i32_1 = arith.constant 0 : i32
    return %arg0, %arg1, %c0_i32, %c0_i32_0 : i32, i32, i32, i32
  }
}

</mosaic_0001>

<sc_bundles>
// kernel: gather_offload_async_start.1
scs
__scs_entry_jumppad:
0x0: {  	(pc) =	sbr.rel $0x88, $3  }
0x1: {  	(tag) =	ssettag $0x0;
	lr =	simm.s32 $0x1  }
0x2: {  	[smem:$0x3F98] =	sst lr;
	_ =	strace $0xD0000000  }
0x3: {  	_ = 	snop  }
0x4: {  	_ = 	snop  }
0x5: {  	_ = 	snop  }
0x6: {  	_ = 	snop  }
0x7: {  	_ = 	snop  }
__scs_overlays_trampoline_lowered:
0x8: {  	[smem:$0x3FA7] =	sst s0  }
0x9: {  	[smem:$0x3FA8] =	sst s1  }
0xa: {  	[smem:$0x3FA9] =	sst s2  }
0xb: {  	[smem:$0x3FAA] =	sst s3  }
0xc: {  	[smem:$0x3FAB] =	sst s4  }
0xd: {  	[smem:$0x3FAC] =	sst s5  }
0xe: {  	[smem:$0x3FAD] =	sst s6  }
0xf: {  	[smem:$0x3FAE] =	sst s7  }
0x10: {  	[smem:$0x3FAF] =	sst s8  }
0x11: {  	[smem:$0x3FB0] =	sst s9;
	s0 =	simm.s32 @!p0 $0x0  }
0x12: {  	s1 =	sld [smem:$0x3F96];
	s0 =	simm.s32 @p0 $0x1  }
0x13: {  	[smem:$0x3FB1] =	sst s0;
	s0 =	simm.s32 @!p1 $0x0  }
0x14: {  	s2 =	sld [smem:$0x3F95];
	s0 =	simm.s32 @p1 $0x1  }
0x15: {  	[smem:$0x3FB2] =	sst s0;
	s0 =	simm.s32 @!p2 $0x0  }
0x16: {  	s3 =	sld [smem:$0x3FDB];
	s0 =	simm.s32 @p2 $0x1  }
0x17: {  	s4 =	simm.s32 $0x1BF5;
	[smem:$0x3FB4] =	sst s0  }
0x18: {  	s0 =	sld [smem:$0x3F97];
	_ =	swait.ge [sflag:s4], $0x0  }
0x19: {  	s7 =	sld [smem:$0x3F98]  }
0x1a: {  	s8 =	sadd.s32 $0xFFFFE003, lr  }
0x1b: {  	s9 =	sadd.s32 $0xFFFFFEF7, lr;
	s5 =	simm.s32 $0xFFFFFFFF;
	p2 =	slt.u32 s8, $0xFFFFF086  }
0x1c: {  	p1 =	slt.u32 s9, $0xF7A;
	s5 =	simm.s32 @!p2 $0x0  }
0x1d: {  	s5 =	simm.s32 @p1 $0x1;
	p0 =	seq.s32 s7, s2  }
0x1e: {  	s7 =	smul.u32 @!p0 $0xF7A, s2;
	p2 =	seq.s32 @!p0 s5, $0x0  }
0x1f: {  	s9 =	smul.u32 $0xF7A, s1;
	s8 =	simm.s32 @!p0 $0x1BF5;
	p2 =	por !p2, p0  }
0x20: {  	[sflag:s8] =	ssyncset.s32 @!p0 $0xFFFFF086;
	s6 =	sadd.s32 @!p0 s3, s7;
	s7 =	simm.s32 @!p0 $0x108  }
0x21: {  	s3 =	sadd.s32 s3, s9;
	s6 =	sadd.s32 @!p0 $0x88, s6;
	s7 =	simm.s32 @p2 $0x1082  }
0x22: {  	[simem:s7], [sflag:s8] =	dma.local @!p0 [hbm:s6], $0xF7A  }
0x23: {  	s9 =	sor.u32 $0xD0000000, s2;
	s6 =	simm.s32 $0x108;
	_ =	swait.ge @!p0 [sflag:s8], $0x0  }
0x24: {  	s3 =	sadd.s32 $0x88, s3;
	s6 =	simm.s32 @!p1 $0x1082;
	[sflag:s4] =	ssyncset.s32 $0xFFFFF086  }
0x25: {  	[simem:s6], [sflag:s4] =	dma.local [hbm:s3], $0xF7A  }
0x26: {  	[smem:$0x3F98] =	sst s1;
	(tag) =	ssettag s2;
	_ =	strace s9  }
0x27: {  	s1 =	sld [smem:$0x3FA8]  }
0x28: {  	s2 =	sld [smem:$0x3FA9]  }
0x29: {  	s4 =	sld [smem:$0x3FAB]  }
0x2a: {  	p0 =	seq.s32 s5, $0x0;
	s5 =	sld [smem:$0x3FAC]  }
0x2b: {  	s6 =	sld [smem:$0x3FAD]  }
0x2c: {  	s7 =	sld [smem:$0x3FAE]  }
0x2d: {  	s3 =	simm.s32 $0x108;
	s8 =	sld [smem:$0x3FAF]  }
0x2e: {  	s3 =	simm.s32 @!p0 $0x1082;
	s9 =	sld [smem:$0x3FB0]  }
0x2f: {  	lr =	sadd.s32 s0, s3;
	s0 =	sld [smem:$0x3FA7]  }
0x30: {  	s3 =	sld [smem:$0x3FAA]  }
0x31: {  	[smem:$0x3FB3] =	sst s10  }
0x32: {  	s10 =	sld [smem:$0x3FB1];
	_ =	sdelay $0x3  }
0x33: {  	p0 =	seq.s32 s10, $0x1;
	s10 =	sld [smem:$0x3FB3];
	_ =	sdelay $0x3  }
0x34: {  	[smem:$0x3FB3] =	sst s10  }
0x35: {  	s10 =	sld [smem:$0x3FB2];
	_ =	sdelay $0x3  }
0x36: {  	p1 =	seq.s32 s10, $0x1;
	s10 =	sld [smem:$0x3FB3];
	_ =	sdelay $0x3  }
0x37: {  	[smem:$0x3FB3] =	sst s10  }
0x38: {  	s10 =	sld [smem:$0x3FB4]  }
0x39: {  	_ = 	snop;
	(pc) =	sbr.ind lr, $3  }
0x3a: {  	_ = 	snop  }
0x3b: {  	_ = 	snop  }
0x3c: {  	p2 =	seq.s32 s10, $0x1;
	s10 =	sld [smem:$0x3FB3]  }
0x3d: {  	_ =	shalt  }
0x3e: {  	_ =	shalt  }
0x3f: {  	_ =	shalt  }
0x40: {  	_ =	shalt  }
0x41: {  	_ =	shalt  }
0x42: {  	_ =	shalt  }
0x43: {  	_ =	shalt  }
0x44: {  	_ =	shalt  }
0x45: {  	_ =	shalt  }
0x46: {  	_ =	shalt  }
0x47: {  	_ =	shalt  }
0x48: {  	_ =	shalt  }
0x49: {  	_ =	shalt  }
0x4a: {  	_ =	shalt  }
0x4b: {  	_ =	shalt  }
0x4c: {  	_ =	shalt  }
0x4d: {  	_ =	shalt  }
0x4e: {  	_ =	shalt  }
0x4f: {  	_ =	shalt  }
0x50: {  	_ =	shalt  }
0x51: {  	_ =	shalt  }
0x52: {  	_ =	shalt  }
0x53: {  	_ =	shalt  }
0x54: {  	_ =	shalt  }
0x55: {  	_ =	shalt  }
0x56: {  	_ =	shalt  }
0x57: {  	_ =	shalt  }
0x58: {  	_ =	shalt  }
0x59: {  	_ =	shalt  }
0x5a: {  	_ =	shalt  }
0x5b: {  	_ =	shalt  }
0x5c: {  	_ =	shalt  }
0x5d: {  	_ =	shalt  }
0x5e: {  	_ =	shalt  }
0x5f: {  	_ =	shalt  }
0x60: {  	_ =	shalt  }
0x61: {  	_ =	shalt  }
0x62: {  	_ =	shalt  }
0x63: {  	_ =	shalt  }
0x64: {  	_ =	shalt  }
0x65: {  	_ =	shalt  }
0x66: {  	_ =	shalt  }
0x67: {  	_ =	shalt  }
0x68: {  	_ =	shalt  }
0x69: {  	_ =	shalt  }
0x6a: {  	_ =	shalt  }
0x6b: {  	_ =	shalt  }
0x6c: {  	_ =	shalt  }
0x6d: {  	_ =	shalt  }
0x6e: {  	_ =	shalt  }
0x6f: {  	_ =	shalt  }
0x70: {  	_ =	shalt  }
0x71: {  	_ =	shalt  }
0x72: {  	_ =	shalt  }
0x73: {  	_ =	shalt  }
0x74: {  	_ =	shalt  }
0x75: {  	_ =	shalt  }
0x76: {  	_ =	shalt  }
0x77: {  	_ =	shalt  }
0x78: {  	_ =	shalt  }
0x79: {  	_ =	shalt  }
0x7a: {  	_ =	shalt  }
0x7b: {  	_ =	shalt  }
0x7c: {  	_ =	shalt  }
0x7d: {  	_ =	shalt  }
0x7e: {  	_ =	shalt  }
0x7f: {  	_ =	shalt  }
0x80: {  	_ =	shalt  }
0x81: {  	_ =	shalt  }
0x82: {  	_ =	shalt  }
0x83: {  	_ =	shalt  }
0x84: {  	_ =	shalt  }
0x85: {  	_ =	shalt  }
0x86: {  	_ =	shalt  }
0x87: {  	_ =	shalt  }
.Lfunc_end0:
.L_simem_size_0:
called_computation.3_lowered:
.L_overlay_start_0:
0x88: {  	s2 =	sld [smem:$0x3FD9]  }
0x89: {  	s3 =	sld [smem:$0x3FFE];
	_ =	sdelay $0x1  }
0x8a: {  	s1 =	srdreg.scid  }
0x8b: {  	s0 =	sand.u32 $0x1, s1  }
0x8c: {  	s14 =	sshll.u32 s0, $0xA;
	s2 =	sadd.s32 s3, s2  }
0x8d: {  	s2 =	sadd.s32 s2, s14  }
0x8e: {  	[smem:$0x3FBF] =	sst s2  }
0x8f: {  	_ = 	snop  }
0x90: {  	s2 =	sld [smem:$0x3FD0];
	_ =	sdelay $0x2  }
0x91: {  	s4 =	simm.s32 $0xB;
	s5 =	simm.s32 $0x10;
	s15 =	sld [smem:$0x3FC5]  }
0x92: {  	[smem:s5], [sflag:s4] =	dma.local [hbm:s2], $0x1  }
0x93: {  	_ =	swait.eq [sflag:s4], $0x1  }
0x94: {  	[sflag:s4] =	ssyncset.done $0x0  }
0x95: {  	[sflag:s4] =	ssyncadd.s32 $0xFFFFFFFF  }
0x96: {  	s16 =	sld [smem:$0x12];
	(tm) =	ssettm $0x1  }
0x97: {  	s17 =	sld [smem:$0x3FFB];
	_ =	sdelay $0x3  }
0x98: {  	_ =	strace s17  }
0x99: {  	s4 =	sld [smem:$0x3FFC];
	_ =	sdelay $0x3  }
0x9a: {  	_ =	strace s4  }
0x9b: {  	s4 =	sld [smem:$0x3FFD];
	_ =	sdelay $0x3  }
0x9c: {  	_ =	strace s4  }
0x9d: {  	_ =	strace $0x8FFFFFFF  }
0x9e: {  	s18 =	sld [smem:$0x3FDB];
	_ =	sdelay $0x1  }
0x9f: {  	s19 =	simm.s32 $_scs_section_size  }
0xa0: {  	s6 =	simm.s32 $_size__tile_overlayer_lowered;
	s7 =	simm.s32 $_tile_overlayer_lowered  }
0xa1: {  	s22 =	simm.s32 $0x1BFF;
	s21 =	sshll.u32 s7, $0x1;
	s4 =	sadd.s32 s19, s18  }
0xa2: {  	s8 =	simm.s32 $0x0;
	s20 =	sshll.u32 s6, $0x1;
	s6 =	sadd.s32 s21, s4  }
0xa3: {  	[timem:s8], [sflag:s22] =	dma.local [hbm:s6], s20  }
0xa4: {  	_ =	swait.ge [sflag:s22], s20  }
0xa5: {  	s5 =	ssub.s32 $0x0, s20;
	[sflag:s22] =	ssyncset.done $0x0  }
0xa6: {  	[sflag:s22] =	ssyncadd.s32 s5;
	_ =	sdelay $0x1  }
0xa7: {  	s23 =	simm.s32 $0x1B8B  }
0xa8: {  	_ =	swait.ge [sflag:s23], $0x1  }
0xa9: {  	[sflag:s23] =	ssyncset.done $0x0  }
0xaa: {  	s25 =	simm.s32 $0x1B8E;
	s24 =	sld [smem:$0x3FFE];
	[sflag:s23] =	ssyncadd.s32 $0xFFFFFFFF  }
0xab: {  	s26 =	simm.s32 $execute0_lowered;
	[smem:$0x3FD2] =	sst s25  }
0xac: {  	s6 =	sshll.u32 s26, $0x1;
	_ =	strace $0x8000004C;
	[dreg:$0x1] =	wrdreg $0xFFFFFFFF  }
0xad: {  	s28 =	simm.s32 $_size_execute0_lowered;
	s4 =	sadd.s32 s4, s6;
	[dreg:$0x0] =	wrdreg $0x0  }
0xae: {  	s6 =	sshll.u32 s28, $0x1;
	[dreg:$0x2] =	wrdreg s4  }
0xaf: {  	[dreg:$0x3] =	wrdreg s6  }
0xb0: {  	[dreg:$0x4] =	wrdreg $0xC0  }
0xb1: {  	_ =	task [dreg:s8], $0x5FFFF  }
0xb2: {  	[dreg:$0x1] =	wrdreg $0xFFFFFFFF  }
0xb3: {  	[dreg:$0x0] =	wrdreg $0x60  }
0xb4: {  	[dreg:$0x2] =	wrdreg s15  }
0xb5: {  	[dreg:$0x3] =	wrdreg s16  }
0xb6: {  	[dreg:$0x4] =	wrdreg s24  }
0xb7: {  	[dreg:$0x5] =	wrdreg $0xA  }
0xb8: {  	_ =	task.clear_ibuf [dreg:s8], $0x6FFFF;
	_ =	strace $0x9000004C  }
0xb9: {  	s29 =	simm.s32 $0xA;
	_ =	strace $0x8000004E  }
0xba: {  	_ =	swait.ge [sflag:s29], $0x1  }
0xbb: {  	[sflag:s29] =	ssyncadd.s32 $0xFFFFFFFF  }
0xbc: {  	_ =	strace $0x9000004E  }
0xbd: {  	_ =	sfence  }
0xbe: {  	s30 =	sld [smem:$0x0];
	_ =	sdelay $0x2  }
0xbf: {  	s31 =	sshll.u32 s1, $0xD;
	s1 =	sshrl.u32 s1, $0x2  }
0xc0: {  	s3 =	sand.u32 $0x4000, s31;
	s1 =	sadd.s32 s1, s30  }
0xc1: {  	s0 =	sor.u32 s3, s0;
	s1 =	sshll.u32 s1, $0x11  }
0xc2: {  	s0 =	sor.u32 s1, s0  }
0xc3: {  	s0 =	sadd.s32 $0x8F2B, s0  }
0xc4: {  	[sflag:s0] =	ssyncadd.remote.s32 $0x1  }
0xc5: {  	_ =	sfence.sel $0xFFFF  }
0xc6: {  	[dreg:$0x0] =	wrdreg $0xFFFFFFFF;
	(pc) =	sbr.abs _section_cstart, $3  }
0xc7: {  	[dreg:$0x1] =	wrdreg $0xFFFFFFFF  }
0xc8: {  	_ =	task.clear_ibuf [dreg:s8], $0x2FFFF;
	_ =	strace $0x9FFFFFFF  }
0xc9: {  	(tm) =	ssettm $0x7FFFFFFF  }
tec
execute0_lowered:
.L_overlay_start_1:
0x0: {  	(tag) =	ssettag $0x1  }
0x1: {  	s2 =	rddreg [dreg:$0x0]  }
0x2: {  	s1 =	srdreg.scid;
	s3 =	rddreg [dreg:$0x1]  }
0x3: {  	s0 =	stileid.u32;
	s5 =	rddreg [dreg:$0x2]  }
0x4: {  	s9 =	simm.s32 $0x1;
	s10 =	simm.s32 $0x3;
	s1 =	sshll.u32 s1, $0x9  }
0x5: {  	s13 =	simm.s32 $0x0;
	s4 =	sshll.u32 s0, $0xA;
	s6 =	sand.u32 $0x200, s1  }
0x6: {  	s12 =	simm.s32 $0x0;
	s5 =	sadd.s32 $0x282A00, s5;
	s4 =	sor.u32 s4, s6  }
0x7: {  	s1 =	rddreg [dreg:$0x3];
	_ =	strace $0x8000004D;
	s8 =	ssub.s32 $0x5000, s4  }
.Ltmp0:
0x8: {  	s6 =	simm.s32 $0x1;
	s7 =	sand.u32 $0x3E00, s8;
	(pc) =	sbr.rel .LBB2_1-.Ltmp0, $4  }
0x9: {  	[sflag:s6] =	ssyncpa.u1 $0x0;
	s11 =	smov.u32 s4;
	p0 =	sne.s32 s7, $0x0  }
0xa: {  	s8 =	sshrl.u32 s8, $0xE;
	s7 =	simm.s32 $0x2;
	s9 =	simm.s32 @!p0 $0x0  }
0xb: {  	[sflag:s7] =	ssyncpa.u1 $0x0;
	p0 =	por $0x0, $0x0;
	s8 =	sadd.s32 s9, s8  }
0xc: {  	vm0 =	vmmov $0xffff;
	[sflag:s10] =	ssyncpa.u1 $0x0;
	s10 =	simm.s32 $0x0;
	s9 =	sadd.s32 $0x1, s8  }
.LBB2_4:
0xd: {  	v5 =	vld.msk [tilespmem:s18+$0x0 ss:$0x1], $0xffff  }
0xe: {  	v6 =	vand.u32 $0x7, v1;
	v7 =	vshrl.u32 v1, $0x3  }
0xf: {  	v3 =	vor.u32 v4, v3;
	vm1 =	veq.s32 v1, $0x80000000;
	v53 =	vand.u32 $0x7FF, v7  }
0x10: {  	v2 =	vor.u32 v2, v3;
	v54 =	vsel vm1, $0xFFFFFFFF, v6;
	v1 =	vsel vm1, $0xFFFFFFFF, v53  }
0x11: {  	v6 =	vshll.u32 v54, $0x7;
	v3 =	vand.u32 $0xFFFFC000, v54;
	v55 =	vand.u32 $0x7F, v1  }
0x12: {  	v1 =	vshll.u32 v1, $0x3;
	v6 =	vand.u32 $0x380, v6;
	v56 =	vshrl.u32 v5, $0x3  }
0x13: {  	v1 =	vand.u32 $0xFFFFFC00, v1;
	vm1 =	veq.s32 v5, $0x80000000;
	v57 =	vand.u32 $0x7FF, v56  }
0x14: {  	v1 =	vadd.s32 v3, v1;
	v5 =	vand.u32 $0x7, v5;
	v3 =	vsel vm1, $0xFFFFFFFF, v57  }
0x15: {  	v1 =	vor.u32 v6, v1;
	v5 =	vsel vm1, $0xFFFFFFFF, v5;
	v58 =	vshll.u32 v3, $0x3  }
0x16: {  	v59 =	vshll.u32 v5, $0x7;
	v5 =	vand.u32 $0xFFFFC000, v5;
	v6 =	vand.u32 $0xFFFFFC00, v58  }
0x17: {  	v1 =	vor.u32 v55, v1;
	v61 =	vand.u32 $0x380, v59;
	v60 =	vadd.s32 v5, v6  }
0x18: {  	[tilespmem:s16], [sflag:$0x1] =	stream.indirect_vreg.gather [hbm4b:s2+s10], $0x1, v0, vm0, $0x4038;
	v62 =	vand.u32 $0x7F, v3;
	v63 =	vor.u32 v61, v60;
	[tilespmem:$0x800] =	vst v63  }
0x19: {  	(ifvalue) =	ssetifvalue $0x7FFFFFFF;
	v0 =	vor.u32 v62, v63  }
0x1a: {  	[tilespmem:s15], [sflag:$0x1] =	stream.indirect_vreg.gather [hbm4b:s2+s10], $0x1, v2, vm0, $0x4038;
	[tilespmem:$0x800] =	vst v63  }
0x1b: {  	s29 =	sadd.s32 $0x10, s15;
	(ifvalue) =	ssetifvalue $0x7FFFFFFF  }
0x1c: {  	[tilespmem:s29], [sflag:$0x1] =	stream.indirect_vreg.gather [hbm4b:s2+s10], $0x1, v1, vm0, $0x4038;
	[tilespmem:$0x800] =	vst v63  }
0x1d: {  	s15 =	sadd.s32 $0x10, s29;
	(ifvalue) =	ssetifvalue $0x7FFFFFFF  }
0x1e: {  	[tilespmem:s15], [sflag:$0x1] =	stream.indirect_vreg.gather [hbm4b:s2+s10], $0x1, v0, vm0, $0x4038;
	[tilespmem:$0x800] =	vst v63  }
0x1f: {  	_ =	swait.ge [sflag:s6], $0x200  }
0x20: {  	s30 =	sshrl.u32 s13, $0x3;
	[sflag:s6] =	ssyncset.done $0x0  }
0x21: {  	s31 =	sand.u32 $0x7, s13;
	s15 =	sadd.s32 s5, s30;
	[sflag:s6] =	ssyncadd.s32 $0xFFFFFE00  }
0x22: {  	[hbm4b:s15+s31] =	stream.linear.scatter [tilespmem:s14], [sflag:$0x3], $0x200, $0x38;
	[tilespmem:$0x800] =	vst v63  }
.LBB2_5:
0x23: {  	s15 =	sadd.s32 $0x4000, s11  }
0x24: {  	p2 =	sgt.s32 s15, $0x4FFF  }
0x25: {  	s15 =	smov.u32 @p2 s4;
	p2 =	sne.s32 s12, s9  }
.Ltmp1:
0x26: {  	p1 =	slt.u32 s12, $0x2;
	(pc) =	sbr.rel @!p2 .LBB2_6-.Ltmp1, $4  }
0x27: {  	s14 =	simm.s32 @!p1 $0x3  }
0x28: {  	s16 =	sadd.s32 $0x1, s12;
	_ =	swait.ge @!p1 [sflag:s14], $0x200  }
0x29: {  	s13 =	smov.u32 s11;
	p0 =	por !p0, !p0;
	[sflag:s14] =	ssyncset.done @!p1 $0x0  }
0x2a: {  	s12 =	smov.u32 s16;
	s11 =	smov.u32 s15;
	[sflag:s14] =	ssyncadd.s32 @!p1 $0xFFFFFE00  }
.LBB2_1:
0x2b: {  	p1 =	sge.u32 s12, s8  }
0x2c: {  	s14 =	sxor.u32 @!p1 $0xFFFFFFFF, s12  }
0x2d: {  	s31 =	sadd.s32 $0xFFFFFFFF, s12;
	s15 =	sshrl.u32 @!p1 s11, $0x3;
	s14 =	sshll.u32 @!p1 s14, $0x9  }
0x2e: {  	s16 =	sand.u32 @!p1 $0x7, s11;
	s15 =	sadd.s32 @!p1 s3, s15;
	s14 =	sand.u32 @!p1 $0x200, s14  }
0x2f: {  	[tilespmem:s14], [sflag:$0x2] =	stream.linear.gather @!p1 [hbm4b:s15+s16], $0x200, $0x38;
	[tilespmem:$0x800] =	vst v63  }
0x30: {  	p1 =	sge.u32 s31, s8  }
.Ltmp2:
0x31: {  	_ = 	snop;
	(pc) =	sbr.rel @p1 .LBB2_5-.Ltmp2, $1  }
0x32: {  	_ =	sdelay $0x3  }
0x33: {  	s14 =	simm.s32 $0x1  }
0x34: {  	_ =	swait.ge [sflag:s7], $0x200;
	s14 =	simm.s32 @!p0 $0x0  }
0x35: {  	[sflag:s7] =	ssyncset.done $0x0;
	s14 =	sshll.u32 s14, $0x9  }
0x36: {  	[sflag:s7] =	ssyncadd.s32 $0xFFFFFE00;
	(ifvalue) =	ssetifvalue $0x7FFFFFFF;
	v0 =	vld.msk [tilespmem:s14+$0x0 ss:$0x1], $0xffff;
	_ =	sdelay $0x4  }
0x37: {  	s15 =	sadd.s32 $0x10, s14;
	v2 =	vshrl.u32 v0, $0x3  }
0x38: {  	v1 =	vld.msk [tilespmem:s15+$0x0 ss:$0x1], $0xffff;
	vm1 =	veq.s32 v0, $0x80000000;
	v2 =	vand.u32 $0x7FF, v2  }
0x39: {  	v0 =	vand.u32 $0x7, v0;
	v2 =	vsel vm1, $0xFFFFFFFF, v2  }
0x3a: {  	v0 =	vsel vm1, $0xFFFFFFFF, v0;
	v3 =	vshll.u32 v2, $0x3  }
0x3b: {  	v4 =	vand.u32 $0xFFFFC000, v0;
	v0 =	vshll.u32 v0, $0x7;
	v3 =	vand.u32 $0xFFFFFC00, v3  }
0x3c: {  	v0 =	vand.u32 $0x380, v0;
	v3 =	vadd.s32 v4, v3  }
0x3d: {  	v2 =	vand.u32 $0x7F, v2;
	v4 =	vshrl.u32 v1, $0x3;
	v0 =	vor.u32 v0, v3  }
0x3e: {  	vm1 =	veq.s32 v1, $0x80000000;
	v4 =	vand.u32 $0x7FF, v4;
	v0 =	vor.u32 v2, v0  }
0x3f: {  	s16 =	sshll.u32 s12, $0x9;
	s15 =	sadd.s32 $0x10, s15;
	v1 =	vand.u32 $0x7, v1;
	v3 =	vsel vm1, $0xFFFFFFFF, v4  }
0x40: {  	s17 =	sand.u32 $0x200, s16;
	v2 =	vsel vm1, $0xFFFFFFFF, v1;
	v1 =	vld.msk [tilespmem:s15+$0x0 ss:$0x1], $0xffff;
	v4 =	vshll.u32 v3, $0x3  }
0x41: {  	s16 =	sor.u32 $0x400, s14;
	s14 =	sor.u32 $0x400, s17;
	s17 =	simm.s32 $0x30;
	v5 =	vshll.u32 v2, $0x7;
	v6 =	vand.u32 $0xFFFFC000, v2;
	v4 =	vand.u32 $0xFFFFFC00, v4  }
0x42: {  	s18 =	sadd.s32 $0x10, s15;
	(ifvalue) =	ssetifvalue $0x7FFFFFFF;
	s15 =	sadd.s32 $0x10, s16;
	v2 =	vand.u32 $0x7F, v3;
	v3 =	vadd.s32 v6, v4;
	v4 =	vand.u32 $0x380, v5  }
.LBB2_3:
0x43: {  	[tilespmem:s16], [sflag:$0x1] =	stream.indirect_vreg.gather [hbm4b:s2+s10], $0x1, v0, vm0, $0x4038;
	[tilespmem:$0x800] =	vst v63  }
0x44: {  	s17 =	sadd.s32 $0x10, s17  }
0x45: {  	v5 =	vand.u32 $0x7, v1;
	v6 =	vshrl.u32 v1, $0x3;
	v3 =	vor.u32 v4, v3;
	v0 =	vmovc v1;
	v1 =	vld.msk [tilespmem:s18+$0x0 ss:$0x1], $0xffff;
	p1 =	slt.u32 s17, $0x1F0  }
.Ltmp3:
0x46: {  	s16 =	smov.u32 s15;
	vm1 =	veq.s32 v0, $0x80000000;
	v4 =	vand.u32 $0x7FF, v6;
	v0 =	vor.u32 v2, v3;
	(pc) =	sbr.rel @p1 .LBB2_3-.Ltmp3, $4  }
0x47: {  	v3 =	vsel vm1, $0xFFFFFFFF, v5;
	v4 =	vsel vm1, $0xFFFFFFFF, v4  }
0x48: {  	v2 =	vand.u32 $0x7F, v4;
	v4 =	vshll.u32 v4, $0x3;
	v5 =	vshll.u32 v3, $0x7  }
0x49: {  	v3 =	vand.u32 $0xFFFFC000, v3;
	v4 =	vand.u32 $0xFFFFFC00, v4  }
0x4a: {  	s18 =	sadd.s32 $0x10, s18;
	s15 =	sadd.s32 $0x10, s15;
	v3 =	vadd.s32 v3, v4;
	v4 =	vand.u32 $0x380, v5;
	(ifvalue) =	ssetifvalue $0x7FFFFFFF  }
.Ltmp4:
0x4b: {  	_ = 	snop;
	(pc) =	sbr.rel .LBB2_4-.Ltmp4, $1  }
0x4c: {  	_ =	sdelay $0x3  }
.LBB2_6:
0x4d: {  	_ =	sfence.sel $0x180000  }
0x4e: {  	s2 =	simm.s32 $0x2;
	[bflag:$0x0] =	sbarrier.arrive $0xFFFF  }
0x4f: {  	s30 =	simm.s32 $0x3;
	[sflag:s2] =	ssyncpa.u1 $0x1  }
0x50: {  	s31 =	simm.s32 $0x1;
	[sflag:s30] =	ssyncpa.u1 $0x1  }
0x51: {  	[sflag:s31] =	ssyncpa.u1 $0x1  }
0x52: {  	p0 =	sne.s32 s0, $0x0;
	_ =	strace $0x9000004D  }
0x53: {  	s0 =	sadd.s32 @!p0 $0x100000, s1;
	[bflag:$0x2] =	sbarrier.arrive $0xFFFF  }
0x54: {  	[sflag:s0] =	ssyncadd.tile.s32 @!p0 $0x1;
	_ =	shalt  }
.Lfunc_end2:
_tile_overlayer_lowered:
.L_overlay_start_2:
0x55: {  	(tag) =	ssettag $0x2  }
0x56: {  	s0 =	rddreg [dreg:$0x0];
	s2 =	stileid.u32  }
0x57: {  	s1 =	rddreg [dreg:$0x1];
	p0 =	sne.s32 s2, $0x0  }
0x58: {  	s3 =	rddreg [dreg:$0x2];
	[bflag:$0x3] =	sbarrier.arrive $0xFFFF;
	s2 =	simm.s32 @!p0 $0x1C01  }
0x59: {  	[timem:s3], [sflag:s2] =	dma.local @!p0 [hbm:s0], s1  }
0x5a: {  	s0 =	simm.s32 @!p0 $0x1  }
0x5b: {  	_ =	swait.ge @!p0 [sflag:s0], s1  }
0x5c: {  	s1 =	ssub.s32 @!p0 $0x0, s1;
	[sflag:s0] =	ssyncset.done @!p0 $0x0  }
0x5d: {  	[sflag:s0] =	ssyncadd.s32 @!p0 s1  }
0x5e: {  	[bflag:$0x3] =	sbarrier.arrive $0xFFFF  }
0x5f: {  	_ =	shalt  }

// kernel: gather_offload_async_start
scs
__scs_entry_jumppad:
0x0: {  	(pc) =	sbr.rel $0x88, $3  }
0x1: {  	(tag) =	ssettag $0x0;
	lr =	simm.s32 $0x1  }
0x2: {  	[smem:$0x3F98] =	sst lr;
	_ =	strace $0xD0000000  }
0x3: {  	_ = 	snop  }
0x4: {  	_ = 	snop  }
0x5: {  	_ = 	snop  }
0x6: {  	_ = 	snop  }
0x7: {  	_ = 	snop  }
__scs_overlays_trampoline_lowered:
0x8: {  	[smem:$0x3FA7] =	sst s0  }
0x9: {  	[smem:$0x3FA8] =	sst s1  }
0xa: {  	[smem:$0x3FA9] =	sst s2  }
0xb: {  	[smem:$0x3FAA] =	sst s3  }
0xc: {  	[smem:$0x3FAB] =	sst s4  }
0xd: {  	[smem:$0x3FAC] =	sst s5  }
0xe: {  	[smem:$0x3FAD] =	sst s6  }
0xf: {  	[smem:$0x3FAE] =	sst s7  }
0x10: {  	[smem:$0x3FAF] =	sst s8  }
0x11: {  	[smem:$0x3FB0] =	sst s9;
	s0 =	simm.s32 @!p0 $0x0  }
0x12: {  	s1 =	sld [smem:$0x3F96];
	s0 =	simm.s32 @p0 $0x1  }
0x13: {  	[smem:$0x3FB1] =	sst s0;
	s0 =	simm.s32 @!p1 $0x0  }
0x14: {  	s2 =	sld [smem:$0x3F95];
	s0 =	simm.s32 @p1 $0x1  }
0x15: {  	[smem:$0x3FB2] =	sst s0;
	s0 =	simm.s32 @!p2 $0x0  }
0x16: {  	s3 =	sld [smem:$0x3FDB];
	s0 =	simm.s32 @p2 $0x1  }
0x17: {  	s4 =	simm.s32 $0x1BF5;
	[smem:$0x3FB4] =	sst s0  }
0x18: {  	s0 =	sld [smem:$0x3F97];
	_ =	swait.ge [sflag:s4], $0x0  }
0x19: {  	s7 =	sld [smem:$0x3F98]  }
0x1a: {  	s8 =	sadd.s32 $0xFFFFE003, lr  }
0x1b: {  	s9 =	sadd.s32 $0xFFFFFEF7, lr;
	s5 =	simm.s32 $0xFFFFFFFF;
	p2 =	slt.u32 s8, $0xFFFFF086  }
0x1c: {  	p1 =	slt.u32 s9, $0xF7A;
	s5 =	simm.s32 @!p2 $0x0  }
0x1d: {  	s5 =	simm.s32 @p1 $0x1;
	p0 =	seq.s32 s7, s2  }
0x1e: {  	s7 =	smul.u32 @!p0 $0xF7A, s2;
	p2 =	seq.s32 @!p0 s5, $0x0  }
0x1f: {  	s9 =	smul.u32 $0xF7A, s1;
	s8 =	simm.s32 @!p0 $0x1BF5;
	p2 =	por !p2, p0  }
0x20: {  	[sflag:s8] =	ssyncset.s32 @!p0 $0xFFFFF086;
	s6 =	sadd.s32 @!p0 s3, s7;
	s7 =	simm.s32 @!p0 $0x108  }
0x21: {  	s3 =	sadd.s32 s3, s9;
	s6 =	sadd.s32 @!p0 $0x88, s6;
	s7 =	simm.s32 @p2 $0x1082  }
0x22: {  	[simem:s7], [sflag:s8] =	dma.local @!p0 [hbm:s6], $0xF7A  }
0x23: {  	s9 =	sor.u32 $0xD0000000, s2;
	s6 =	simm.s32 $0x108;
	_ =	swait.ge @!p0 [sflag:s8], $0x0  }
0x24: {  	s3 =	sadd.s32 $0x88, s3;
	s6 =	simm.s32 @!p1 $0x1082;
	[sflag:s4] =	ssyncset.s32 $0xFFFFF086  }
0x25: {  	[simem:s6], [sflag:s4] =	dma.local [hbm:s3], $0xF7A  }
0x26: {  	[smem:$0x3F98] =	sst s1;
	(tag) =	ssettag s2;
	_ =	strace s9  }
0x27: {  	s1 =	sld [smem:$0x3FA8]  }
0x28: {  	s2 =	sld [smem:$0x3FA9]  }
0x29: {  	s4 =	sld [smem:$0x3FAB]  }
0x2a: {  	p0 =	seq.s32 s5, $0x0;
	s5 =	sld [smem:$0x3FAC]  }
0x2b: {  	s6 =	sld [smem:$0x3FAD]  }
0x2c: {  	s7 =	sld [smem:$0x3FAE]  }
0x2d: {  	s3 =	simm.s32 $0x108;
	s8 =	sld [smem:$0x3FAF]  }
0x2e: {  	s3 =	simm.s32 @!p0 $0x1082;
	s9 =	sld [smem:$0x3FB0]  }
0x2f: {  	lr =	sadd.s32 s0, s3;
	s0 =	sld [smem:$0x3FA7]  }
0x30: {  	s3 =	sld [smem:$0x3FAA]  }
0x31: {  	[smem:$0x3FB3] =	sst s10  }
0x32: {  	s10 =	sld [smem:$0x3FB1];
	_ =	sdelay $0x3  }
0x33: {  	p0 =	seq.s32 s10, $0x1;
	s10 =	sld [smem:$0x3FB3];
	_ =	sdelay $0x3  }
0x34: {  	[smem:$0x3FB3] =	sst s10  }
0x35: {  	s10 =	sld [smem:$0x3FB2];
	_ =	sdelay $0x3  }
0x36: {  	p1 =	seq.s32 s10, $0x1;
	s10 =	sld [smem:$0x3FB3];
	_ =	sdelay $0x3  }
0x37: {  	[smem:$0x3FB3] =	sst s10  }
0x38: {  	s10 =	sld [smem:$0x3FB4]  }
0x39: {  	_ = 	snop;
	(pc) =	sbr.ind lr, $3  }
0x3a: {  	_ = 	snop  }
0x3b: {  	_ = 	snop  }
0x3c: {  	p2 =	seq.s32 s10, $0x1;
	s10 =	sld [smem:$0x3FB3]  }
0x3d: {  	_ =	shalt  }
0x3e: {  	_ =	shalt  }
0x3f: {  	_ =	shalt  }
0x40: {  	_ =	shalt  }
0x41: {  	_ =	shalt  }
0x42: {  	_ =	shalt  }
0x43: {  	_ =	shalt  }
0x44: {  	_ =	shalt  }
0x45: {  	_ =	shalt  }
0x46: {  	_ =	shalt  }
0x47: {  	_ =	shalt  }
0x48: {  	_ =	shalt  }
0x49: {  	_ =	shalt  }
0x4a: {  	_ =	shalt  }
0x4b: {  	_ =	shalt  }
0x4c: {  	_ =	shalt  }
0x4d: {  	_ =	shalt  }
0x4e: {  	_ =	shalt  }
0x4f: {  	_ =	shalt  }
0x50: {  	_ =	shalt  }
0x51: {  	_ =	shalt  }
0x52: {  	_ =	shalt  }
0x53: {  	_ =	shalt  }
0x54: {  	_ =	shalt  }
0x55: {  	_ =	shalt  }
0x56: {  	_ =	shalt  }
0x57: {  	_ =	shalt  }
0x58: {  	_ =	shalt  }
0x59: {  	_ =	shalt  }
0x5a: {  	_ =	shalt  }
0x5b: {  	_ =	shalt  }
0x5c: {  	_ =	shalt  }
0x5d: {  	_ =	shalt  }
0x5e: {  	_ =	shalt  }
0x5f: {  	_ =	shalt  }
0x60: {  	_ =	shalt  }
0x61: {  	_ =	shalt  }
0x62: {  	_ =	shalt  }
0x63: {  	_ =	shalt  }
0x64: {  	_ =	shalt  }
0x65: {  	_ =	shalt  }
0x66: {  	_ =	shalt  }
0x67: {  	_ =	shalt  }
0x68: {  	_ =	shalt  }
0x69: {  	_ =	shalt  }
0x6a: {  	_ =	shalt  }
0x6b: {  	_ =	shalt  }
0x6c: {  	_ =	shalt  }
0x6d: {  	_ =	shalt  }
0x6e: {  	_ =	shalt  }
0x6f: {  	_ =	shalt  }
0x70: {  	_ =	shalt  }
0x71: {  	_ =	shalt  }
0x72: {  	_ =	shalt  }
0x73: {  	_ =	shalt  }
0x74: {  	_ =	shalt  }
0x75: {  	_ =	shalt  }
0x76: {  	_ =	shalt  }
0x77: {  	_ =	shalt  }
0x78: {  	_ =	shalt  }
0x79: {  	_ =	shalt  }
0x7a: {  	_ =	shalt  }
0x7b: {  	_ =	shalt  }
0x7c: {  	_ =	shalt  }
0x7d: {  	_ =	shalt  }
0x7e: {  	_ =	shalt  }
0x7f: {  	_ =	shalt  }
0x80: {  	_ =	shalt  }
0x81: {  	_ =	shalt  }
0x82: {  	_ =	shalt  }
0x83: {  	_ =	shalt  }
0x84: {  	_ =	shalt  }
0x85: {  	_ =	shalt  }
0x86: {  	_ =	shalt  }
0x87: {  	_ =	shalt  }
.Lfunc_end0:
.L_simem_size_0:
called_computation.2_lowered:
.L_overlay_start_0:
0x88: {  	s2 =	sld [smem:$0x3FD9]  }
0x89: {  	s3 =	sld [smem:$0x3FFE];
	_ =	sdelay $0x1  }
0x8a: {  	s1 =	srdreg.scid  }
0x8b: {  	s0 =	sand.u32 $0x1, s1  }
0x8c: {  	s14 =	sshll.u32 s0, $0xA;
	s2 =	sadd.s32 s3, s2  }
0x8d: {  	s2 =	sadd.s32 s2, s14  }
0x8e: {  	[smem:$0x3FBF] =	sst s2  }
0x8f: {  	_ = 	snop  }
0x90: {  	s2 =	sld [smem:$0x3FD0];
	_ =	sdelay $0x2  }
0x91: {  	s4 =	simm.s32 $0xB;
	s5 =	simm.s32 $0x10;
	s15 =	sld [smem:$0x3FC7]  }
0x92: {  	[smem:s5], [sflag:s4] =	dma.local [hbm:s2], $0x1  }
0x93: {  	_ =	swait.eq [sflag:s4], $0x1  }
0x94: {  	[sflag:s4] =	ssyncset.done $0x0  }
0x95: {  	[sflag:s4] =	ssyncadd.s32 $0xFFFFFFFF  }
0x96: {  	s16 =	sld [smem:$0x12];
	(tm) =	ssettm $0x1  }
0x97: {  	s17 =	sld [smem:$0x3FFB];
	_ =	sdelay $0x3  }
0x98: {  	_ =	strace s17  }
0x99: {  	s4 =	sld [smem:$0x3FFC];
	_ =	sdelay $0x3  }
0x9a: {  	_ =	strace s4  }
0x9b: {  	s4 =	sld [smem:$0x3FFD];
	_ =	sdelay $0x3  }
0x9c: {  	_ =	strace s4  }
0x9d: {  	_ =	strace $0x8FFFFFFF  }
0x9e: {  	s18 =	sld [smem:$0x3FDB];
	_ =	sdelay $0x1  }
0x9f: {  	s19 =	simm.s32 $_scs_section_size  }
0xa0: {  	s6 =	simm.s32 $_size__tile_overlayer_lowered;
	s7 =	simm.s32 $_tile_overlayer_lowered  }
0xa1: {  	s22 =	simm.s32 $0x1BFF;
	s21 =	sshll.u32 s7, $0x1;
	s4 =	sadd.s32 s19, s18  }
0xa2: {  	s8 =	simm.s32 $0x0;
	s20 =	sshll.u32 s6, $0x1;
	s6 =	sadd.s32 s21, s4  }
0xa3: {  	[timem:s8], [sflag:s22] =	dma.local [hbm:s6], s20  }
0xa4: {  	_ =	swait.ge [sflag:s22], s20  }
0xa5: {  	s5 =	ssub.s32 $0x0, s20;
	[sflag:s22] =	ssyncset.done $0x0  }
0xa6: {  	[sflag:s22] =	ssyncadd.s32 s5;
	_ =	sdelay $0x1  }
0xa7: {  	s23 =	simm.s32 $0x1B8B  }
0xa8: {  	_ =	swait.ge [sflag:s23], $0x1  }
0xa9: {  	[sflag:s23] =	ssyncset.done $0x0  }
0xaa: {  	s25 =	simm.s32 $0x1B8E;
	s24 =	sld [smem:$0x3FFE];
	[sflag:s23] =	ssyncadd.s32 $0xFFFFFFFF  }
0xab: {  	s26 =	simm.s32 $execute0_lowered;
	[smem:$0x3FD2] =	sst s25  }
0xac: {  	s6 =	sshll.u32 s26, $0x1;
	_ =	strace $0x80000046;
	[dreg:$0x1] =	wrdreg $0xFFFFFFFF  }
0xad: {  	s28 =	simm.s32 $_size_execute0_lowered;
	s4 =	sadd.s32 s4, s6;
	[dreg:$0x0] =	wrdreg $0x0  }
0xae: {  	s6 =	sshll.u32 s28, $0x1;
	[dreg:$0x2] =	wrdreg s4  }
0xaf: {  	[dreg:$0x3] =	wrdreg s6  }
0xb0: {  	[dreg:$0x4] =	wrdreg $0xC0  }
0xb1: {  	_ =	task [dreg:s8], $0x5FFFF  }
0xb2: {  	[dreg:$0x1] =	wrdreg $0xFFFFFFFF  }
0xb3: {  	[dreg:$0x0] =	wrdreg $0x60  }
0xb4: {  	[dreg:$0x2] =	wrdreg s15  }
0xb5: {  	[dreg:$0x3] =	wrdreg s16  }
0xb6: {  	[dreg:$0x4] =	wrdreg s24  }
0xb7: {  	[dreg:$0x5] =	wrdreg $0xA  }
0xb8: {  	_ =	task.clear_ibuf [dreg:s8], $0x6FFFF;
	_ =	strace $0x90000046  }
0xb9: {  	s29 =	simm.s32 $0xA;
	_ =	strace $0x80000048  }
0xba: {  	_ =	swait.ge [sflag:s29], $0x1  }
0xbb: {  	[sflag:s29] =	ssyncadd.s32 $0xFFFFFFFF  }
0xbc: {  	_ =	strace $0x90000048  }
0xbd: {  	_ =	sfence  }
0xbe: {  	s30 =	sld [smem:$0x0];
	_ =	sdelay $0x2  }
0xbf: {  	s31 =	sshll.u32 s1, $0xD;
	s1 =	sshrl.u32 s1, $0x2  }
0xc0: {  	s3 =	sand.u32 $0x4000, s31;
	s1 =	sadd.s32 s1, s30  }
0xc1: {  	s0 =	sor.u32 s3, s0;
	s1 =	sshll.u32 s1, $0x11  }
0xc2: {  	s0 =	sor.u32 s1, s0  }
0xc3: {  	s0 =	sadd.s32 $0x8F2B, s0  }
0xc4: {  	[sflag:s0] =	ssyncadd.remote.s32 $0x1  }
0xc5: {  	_ =	sfence.sel $0xFFFF  }
0xc6: {  	[dreg:$0x0] =	wrdreg $0xFFFFFFFF;
	(pc) =	sbr.abs _section_cstart, $3  }
0xc7: {  	[dreg:$0x1] =	wrdreg $0xFFFFFFFF  }
0xc8: {  	_ =	task.clear_ibuf [dreg:s8], $0x2FFFF;
	_ =	strace $0x9FFFFFFF  }
0xc9: {  	(tm) =	ssettm $0x7FFFFFFF  }
tec
execute0_lowered:
.L_overlay_start_1:
0x0: {  	(tag) =	ssettag $0x1  }
0x1: {  	s2 =	rddreg [dreg:$0x0]  }
0x2: {  	s1 =	srdreg.scid;
	s3 =	rddreg [dreg:$0x1]  }
0x3: {  	s0 =	stileid.u32;
	s5 =	rddreg [dreg:$0x2]  }
0x4: {  	s9 =	simm.s32 $0x1;
	s10 =	simm.s32 $0x3;
	s1 =	sshll.u32 s1, $0x9  }
0x5: {  	s13 =	simm.s32 $0x0;
	s4 =	sshll.u32 s0, $0xA;
	s6 =	sand.u32 $0x200, s1  }
0x6: {  	s12 =	simm.s32 $0x0;
	s5 =	sadd.s32 $0x2A00, s5;
	s4 =	sor.u32 s4, s6  }
0x7: {  	s1 =	rddreg [dreg:$0x3];
	_ =	strace $0x80000047;
	s8 =	ssub.s32 $0x5000, s4  }
.Ltmp0:
0x8: {  	s6 =	simm.s32 $0x1;
	s7 =	sand.u32 $0x3E00, s8;
	(pc) =	sbr.rel .LBB2_1-.Ltmp0, $4  }
0x9: {  	[sflag:s6] =	ssyncpa.u1 $0x0;
	s11 =	smov.u32 s4;
	p0 =	sne.s32 s7, $0x0  }
0xa: {  	s8 =	sshrl.u32 s8, $0xE;
	s7 =	simm.s32 $0x2;
	s9 =	simm.s32 @!p0 $0x0  }
0xb: {  	[sflag:s7] =	ssyncpa.u1 $0x0;
	p0 =	por $0x0, $0x0;
	s8 =	sadd.s32 s9, s8  }
0xc: {  	vm0 =	vmmov $0xffff;
	[sflag:s10] =	ssyncpa.u1 $0x0;
	s10 =	simm.s32 $0x0;
	s9 =	sadd.s32 $0x1, s8  }
.LBB2_4:
0xd: {  	v5 =	vld.msk [tilespmem:s18+$0x0 ss:$0x1], $0xffff  }
0xe: {  	v6 =	vand.u32 $0x7, v1;
	v7 =	vshrl.u32 v1, $0x3  }
0xf: {  	v3 =	vor.u32 v4, v3;
	vm1 =	veq.s32 v1, $0x80000000;
	v53 =	vand.u32 $0x7FF, v7  }
0x10: {  	v2 =	vor.u32 v2, v3;
	v54 =	vsel vm1, $0xFFFFFFFF, v6;
	v1 =	vsel vm1, $0xFFFFFFFF, v53  }
0x11: {  	v6 =	vshll.u32 v54, $0x7;
	v3 =	vand.u32 $0xFFFFC000, v54;
	v55 =	vand.u32 $0x7F, v1  }
0x12: {  	v1 =	vshll.u32 v1, $0x3;
	v6 =	vand.u32 $0x380, v6;
	v56 =	vshrl.u32 v5, $0x3  }
0x13: {  	v1 =	vand.u32 $0xFFFFFC00, v1;
	vm1 =	veq.s32 v5, $0x80000000;
	v57 =	vand.u32 $0x7FF, v56  }
0x14: {  	v1 =	vadd.s32 v3, v1;
	v5 =	vand.u32 $0x7, v5;
	v3 =	vsel vm1, $0xFFFFFFFF, v57  }
0x15: {  	v1 =	vor.u32 v6, v1;
	v5 =	vsel vm1, $0xFFFFFFFF, v5;
	v58 =	vshll.u32 v3, $0x3  }
0x16: {  	v59 =	vshll.u32 v5, $0x7;
	v5 =	vand.u32 $0xFFFFC000, v5;
	v6 =	vand.u32 $0xFFFFFC00, v58  }
0x17: {  	v1 =	vor.u32 v55, v1;
	v61 =	vand.u32 $0x380, v59;
	v60 =	vadd.s32 v5, v6  }
0x18: {  	[tilespmem:s16], [sflag:$0x1] =	stream.indirect_vreg.gather [hbm4b:s2+s10], $0x1, v0, vm0, $0x4038;
	v62 =	vand.u32 $0x7F, v3;
	v63 =	vor.u32 v61, v60;
	[tilespmem:$0x800] =	vst v63  }
0x19: {  	(ifvalue) =	ssetifvalue $0x7FFFFFFF;
	v0 =	vor.u32 v62, v63  }
0x1a: {  	[tilespmem:s15], [sflag:$0x1] =	stream.indirect_vreg.gather [hbm4b:s2+s10], $0x1, v2, vm0, $0x4038;
	[tilespmem:$0x800] =	vst v63  }
0x1b: {  	s29 =	sadd.s32 $0x10, s15;
	(ifvalue) =	ssetifvalue $0x7FFFFFFF  }
0x1c: {  	[tilespmem:s29], [sflag:$0x1] =	stream.indirect_vreg.gather [hbm4b:s2+s10], $0x1, v1, vm0, $0x4038;
	[tilespmem:$0x800] =	vst v63  }
0x1d: {  	s15 =	sadd.s32 $0x10, s29;
	(ifvalue) =	ssetifvalue $0x7FFFFFFF  }
0x1e: {  	[tilespmem:s15], [sflag:$0x1] =	stream.indirect_vreg.gather [hbm4b:s2+s10], $0x1, v0, vm0, $0x4038;
	[tilespmem:$0x800] =	vst v63  }
0x1f: {  	_ =	swait.ge [sflag:s6], $0x200  }
0x20: {  	s30 =	sshrl.u32 s13, $0x3;
	[sflag:s6] =	ssyncset.done $0x0  }
0x21: {  	s31 =	sand.u32 $0x7, s13;
	s15 =	sadd.s32 s5, s30;
	[sflag:s6] =	ssyncadd.s32 $0xFFFFFE00  }
0x22: {  	[hbm4b:s15+s31] =	stream.linear.scatter [tilespmem:s14], [sflag:$0x3], $0x200, $0x38;
	[tilespmem:$0x800] =	vst v63  }
.LBB2_5:
0x23: {  	s15 =	sadd.s32 $0x4000, s11  }
0x24: {  	p2 =	sgt.s32 s15, $0x4FFF  }
0x25: {  	s15 =	smov.u32 @p2 s4;
	p2 =	sne.s32 s12, s9  }
.Ltmp1:
0x26: {  	p1 =	slt.u32 s12, $0x2;
	(pc) =	sbr.rel @!p2 .LBB2_6-.Ltmp1, $4  }
0x27: {  	s14 =	simm.s32 @!p1 $0x3  }
0x28: {  	s16 =	sadd.s32 $0x1, s12;
	_ =	swait.ge @!p1 [sflag:s14], $0x200  }
0x29: {  	s13 =	smov.u32 s11;
	p0 =	por !p0, !p0;
	[sflag:s14] =	ssyncset.done @!p1 $0x0  }
0x2a: {  	s12 =	smov.u32 s16;
	s11 =	smov.u32 s15;
	[sflag:s14] =	ssyncadd.s32 @!p1 $0xFFFFFE00  }
.LBB2_1:
0x2b: {  	p1 =	sge.u32 s12, s8  }
0x2c: {  	s14 =	sxor.u32 @!p1 $0xFFFFFFFF, s12  }
0x2d: {  	s31 =	sadd.s32 $0xFFFFFFFF, s12;
	s15 =	sshrl.u32 @!p1 s11, $0x3;
	s14 =	sshll.u32 @!p1 s14, $0x9  }
0x2e: {  	s16 =	sand.u32 @!p1 $0x7, s11;
	s15 =	sadd.s32 @!p1 s3, s15;
	s14 =	sand.u32 @!p1 $0x200, s14  }
0x2f: {  	[tilespmem:s14], [sflag:$0x2] =	stream.linear.gather @!p1 [hbm4b:s15+s16], $0x200, $0x38;
	[tilespmem:$0x800] =	vst v63  }
0x30: {  	p1 =	sge.u32 s31, s8  }
.Ltmp2:
0x31: {  	_ = 	snop;
	(pc) =	sbr.rel @p1 .LBB2_5-.Ltmp2, $1  }
0x32: {  	_ =	sdelay $0x3  }
0x33: {  	s14 =	simm.s32 $0x1  }
0x34: {  	_ =	swait.ge [sflag:s7], $0x200;
	s14 =	simm.s32 @!p0 $0x0  }
0x35: {  	[sflag:s7] =	ssyncset.done $0x0;
	s14 =	sshll.u32 s14, $0x9  }
0x36: {  	[sflag:s7] =	ssyncadd.s32 $0xFFFFFE00;
	(ifvalue) =	ssetifvalue $0x7FFFFFFF;
	v0 =	vld.msk [tilespmem:s14+$0x0 ss:$0x1], $0xffff;
	_ =	sdelay $0x4  }
0x37: {  	s15 =	sadd.s32 $0x10, s14;
	v2 =	vshrl.u32 v0, $0x3  }
0x38: {  	v1 =	vld.msk [tilespmem:s15+$0x0 ss:$0x1], $0xffff;
	vm1 =	veq.s32 v0, $0x80000000;
	v2 =	vand.u32 $0x7FF, v2  }
0x39: {  	v0 =	vand.u32 $0x7, v0;
	v2 =	vsel vm1, $0xFFFFFFFF, v2  }
0x3a: {  	v0 =	vsel vm1, $0xFFFFFFFF, v0;
	v3 =	vshll.u32 v2, $0x3  }
0x3b: {  	v4 =	vand.u32 $0xFFFFC000, v0;
	v0 =	vshll.u32 v0, $0x7;
	v3 =	vand.u32 $0xFFFFFC00, v3  }
0x3c: {  	v0 =	vand.u32 $0x380, v0;
	v3 =	vadd.s32 v4, v3  }
0x3d: {  	v2 =	vand.u32 $0x7F, v2;
	v4 =	vshrl.u32 v1, $0x3;
	v0 =	vor.u32 v0, v3  }
0x3e: {  	vm1 =	veq.s32 v1, $0x80000000;
	v4 =	vand.u32 $0x7FF, v4;
	v0 =	vor.u32 v2, v0  }
0x3f: {  	s16 =	sshll.u32 s12, $0x9;
	s15 =	sadd.s32 $0x10, s15;
	v1 =	vand.u32 $0x7, v1;
	v3 =	vsel vm1, $0xFFFFFFFF, v4  }
0x40: {  	s17 =	sand.u32 $0x200, s16;
	v2 =	vsel vm1, $0xFFFFFFFF, v1;
	v1 =	vld.msk [tilespmem:s15+$0x0 ss:$0x1], $0xffff;
	v4 =	vshll.u32 v3, $0x3  }
0x41: {  	s16 =	sor.u32 $0x400, s14;
	s14 =	sor.u32 $0x400, s17;
	s17 =	simm.s32 $0x30;
	v5 =	vshll.u32 v2, $0x7;
	v6 =	vand.u32 $0xFFFFC000, v2;
	v4 =	vand.u32 $0xFFFFFC00, v4  }
0x42: {  	s18 =	sadd.s32 $0x10, s15;
	(ifvalue) =	ssetifvalue $0x7FFFFFFF;
	s15 =	sadd.s32 $0x10, s16;
	v2 =	vand.u32 $0x7F, v3;
	v3 =	vadd.s32 v6, v4;
	v4 =	vand.u32 $0x380, v5  }
.LBB2_3:
0x43: {  	[tilespmem:s16], [sflag:$0x1] =	stream.indirect_vreg.gather [hbm4b:s2+s10], $0x1, v0, vm0, $0x4038;
	[tilespmem:$0x800] =	vst v63  }
0x44: {  	s17 =	sadd.s32 $0x10, s17  }
0x45: {  	v5 =	vand.u32 $0x7, v1;
	v6 =	vshrl.u32 v1, $0x3;
	v3 =	vor.u32 v4, v3;
	v0 =	vmovc v1;
	v1 =	vld.msk [tilespmem:s18+$0x0 ss:$0x1], $0xffff;
	p1 =	slt.u32 s17, $0x1F0  }
.Ltmp3:
0x46: {  	s16 =	smov.u32 s15;
	vm1 =	veq.s32 v0, $0x80000000;
	v4 =	vand.u32 $0x7FF, v6;
	v0 =	vor.u32 v2, v3;
	(pc) =	sbr.rel @p1 .LBB2_3-.Ltmp3, $4  }
0x47: {  	v3 =	vsel vm1, $0xFFFFFFFF, v5;
	v4 =	vsel vm1, $0xFFFFFFFF, v4  }
0x48: {  	v2 =	vand.u32 $0x7F, v4;
	v4 =	vshll.u32 v4, $0x3;
	v5 =	vshll.u32 v3, $0x7  }
0x49: {  	v3 =	vand.u32 $0xFFFFC000, v3;
	v4 =	vand.u32 $0xFFFFFC00, v4  }
0x4a: {  	s18 =	sadd.s32 $0x10, s18;
	s15 =	sadd.s32 $0x10, s15;
	v3 =	vadd.s32 v3, v4;
	v4 =	vand.u32 $0x380, v5;
	(ifvalue) =	ssetifvalue $0x7FFFFFFF  }
.Ltmp4:
0x4b: {  	_ = 	snop;
	(pc) =	sbr.rel .LBB2_4-.Ltmp4, $1  }
0x4c: {  	_ =	sdelay $0x3  }
.LBB2_6:
0x4d: {  	_ =	sfence.sel $0x180000  }
0x4e: {  	s2 =	simm.s32 $0x2;
	[bflag:$0x0] =	sbarrier.arrive $0xFFFF  }
0x4f: {  	s30 =	simm.s32 $0x3;
	[sflag:s2] =	ssyncpa.u1 $0x1  }
0x50: {  	s31 =	simm.s32 $0x1;
	[sflag:s30] =	ssyncpa.u1 $0x1  }
0x51: {  	[sflag:s31] =	ssyncpa.u1 $0x1  }
0x52: {  	p0 =	sne.s32 s0, $0x0;
	_ =	strace $0x90000047  }
0x53: {  	s0 =	sadd.s32 @!p0 $0x100000, s1;
	[bflag:$0x2] =	sbarrier.arrive $0xFFFF  }
0x54: {  	[sflag:s0] =	ssyncadd.tile.s32 @!p0 $0x1;
	_ =	shalt  }
.Lfunc_end2:
_tile_overlayer_lowered:
.L_overlay_start_2:
0x55: {  	(tag) =	ssettag $0x2  }
0x56: {  	s0 =	rddreg [dreg:$0x0];
	s2 =	stileid.u32  }
0x57: {  	s1 =	rddreg [dreg:$0x1];
	p0 =	sne.s32 s2, $0x0  }
0x58: {  	s3 =	rddreg [dreg:$0x2];
	[bflag:$0x3] =	sbarrier.arrive $0xFFFF;
	s2 =	simm.s32 @!p0 $0x1C01  }
0x59: {  	[timem:s3], [sflag:s2] =	dma.local @!p0 [hbm:s0], s1  }
0x5a: {  	s0 =	simm.s32 @!p0 $0x1  }
0x5b: {  	_ =	swait.ge @!p0 [sflag:s0], s1  }
0x5c: {  	s1 =	ssub.s32 @!p0 $0x0, s1;
	[sflag:s0] =	ssyncset.done @!p0 $0x0  }
0x5d: {  	[sflag:s0] =	ssyncadd.s32 @!p0 s1  }
0x5e: {  	[bflag:$0x3] =	sbarrier.arrive $0xFFFF  }
0x5f: {  	_ =	shalt  }

// kernel: sparse-core-data-format-call.1.cloned.1.call-start
scs
called_computation.1_lowered:
.L_overlay_start_0:
0x0: {  	s2 =	sld [smem:$0x3FD9]  }
0x1: {  	s3 =	sld [smem:$0x3FFE];
	_ =	sdelay $0x1  }
0x2: {  	s1 =	srdreg.scid  }
0x3: {  	s0 =	sand.u32 $0x1, s1  }
0x4: {  	s18 =	sshll.u32 s0, $0xA;
	s2 =	sadd.s32 s3, s2  }
0x5: {  	s2 =	sadd.s32 s2, s18  }
0x6: {  	[smem:$0x3FBF] =	sst s2  }
0x7: {  	_ = 	snop  }
0x8: {  	s19 =	sld [smem:$0x3FC4];
	(tm) =	ssettm $0x1  }
0x9: {  	s20 =	sld [smem:$0x3FFB];
	_ =	sdelay $0x3  }
0xa: {  	_ =	strace s20  }
0xb: {  	s2 =	sld [smem:$0x3FFC];
	_ =	sdelay $0x3  }
0xc: {  	_ =	strace s2  }
0xd: {  	s2 =	sld [smem:$0x3FFD];
	_ =	sdelay $0x3  }
0xe: {  	_ =	strace s2  }
0xf: {  	_ =	strace $0x8FFFFFFF  }
0x10: {  	s21 =	sld [smem:$0x3FDB];
	_ =	sdelay $0x1  }
0x11: {  	s4 =	simm.s32 $_scs_section_size  }
0x12: {  	s5 =	simm.s32 $_size__tile_overlayer_lowered;
	s6 =	simm.s32 $_tile_overlayer_lowered  }
0x13: {  	s7 =	simm.s32 $0x1BFF;
	s22 =	sshll.u32 s6, $0x1;
	s4 =	sadd.s32 s4, s21  }
0x14: {  	s23 =	simm.s32 $0x0;
	s5 =	sshll.u32 s5, $0x1;
	s6 =	sadd.s32 s22, s4  }
0x15: {  	[timem:s23], [sflag:s7] =	dma.local [hbm:s6], s5  }
0x16: {  	_ =	swait.ge [sflag:s7], s5  }
0x17: {  	s5 =	ssub.s32 $0x0, s5;
	[sflag:s7] =	ssyncset.done $0x0  }
0x18: {  	[sflag:s7] =	ssyncadd.s32 s5;
	_ =	sdelay $0x1  }
0x19: {  	s24 =	simm.s32 $0x1B8B  }
0x1a: {  	_ =	swait.ge [sflag:s24], $0x1  }
0x1b: {  	[sflag:s24] =	ssyncset.done $0x0  }
0x1c: {  	[sflag:s24] =	ssyncadd.s32 $0xFFFFFFFF  }
0x1d: {  	s5 =	sld [smem:$0x0]  }
0x1e: {  	s6 =	sand.u32 $0xFFFFFFFE, s1  }
0x1f: {  	p0 =	sne.s32 s1, s6  }
0x20: {  	s6 =	sshll.u32 @p0 s6, $0xE  }
0x21: {  	s6 =	sadd.s32 @p0 $0x11B8D, s6;
	s7 =	sshll.u32 @p0 s5, $0x11  }
0x22: {  	s6 =	sor.u32 @p0 s7, s6  }
0x23: {  	[sflag:s6] =	ssyncadd.remote.s32 @p0 $0x1;
	_ =	sdelay $0x1  }
0x24: {  	s6 =	simm.s32 @p0 $0x1B8D  }
0x25: {  	_ =	swait.eq @p0 [sflag:s6], $0x1  }
0x26: {  	[sflag:s6] =	ssyncadd.s32 @p0 $0xFFFFFFFF  }
0x27: {  	s7 =	sshll.u32 @!p0 s1, $0xE  }
0x28: {  	s7 =	sor.u32 @!p0 $0x4000, s7;
	s6 =	simm.s32 @!p0 $0x1B8D  }
0x29: {  	s5 =	sshll.u32 @!p0 s5, $0x11;
	s7 =	sadd.s32 @!p0 $0x11B8D, s7;
	_ =	swait.eq @!p0 [sflag:s6], $0x1  }
0x2a: {  	s5 =	sor.u32 @!p0 s5, s7;
	[sflag:s6] =	ssyncadd.s32 @!p0 $0xFFFFFFFF  }
0x2b: {  	s26 =	simm.s32 $0x1B8E;
	s25 =	sld [smem:$0x3FFE];
	[sflag:s5] =	ssyncadd.remote.s32 @!p0 $0x1  }
0x2c: {  	s27 =	simm.s32 $execute0_lowered;
	[smem:$0x3FD2] =	sst s26  }
0x2d: {  	s6 =	sshll.u32 s27, $0x1;
	_ =	strace $0x80000049;
	[dreg:$0x1] =	wrdreg $0xFFFFFFFF  }
0x2e: {  	s28 =	simm.s32 $_size_execute0_lowered;
	s4 =	sadd.s32 s4, s6;
	[dreg:$0x0] =	wrdreg $0x0  }
0x2f: {  	s6 =	sshll.u32 s28, $0x1;
	[dreg:$0x2] =	wrdreg s4  }
0x30: {  	[dreg:$0x3] =	wrdreg s6  }
0x31: {  	[dreg:$0x4] =	wrdreg $0xC0  }
0x32: {  	_ =	task [dreg:s23], $0x5FFFF  }
0x33: {  	[dreg:$0x1] =	wrdreg $0xFFFFFFFF  }
0x34: {  	[dreg:$0x0] =	wrdreg $0x60  }
0x35: {  	[dreg:$0x2] =	wrdreg s19  }
0x36: {  	[dreg:$0x3] =	wrdreg s25  }
0x37: {  	[dreg:$0x4] =	wrdreg $0x9  }
0x38: {  	_ =	task.clear_ibuf [dreg:s23], $0x5FFFF;
	_ =	strace $0x90000049  }
0x39: {  	s29 =	simm.s32 $0x9;
	_ =	strace $0x8000004B  }
0x3a: {  	_ =	swait.ge [sflag:s29], $0x1  }
0x3b: {  	[sflag:s29] =	ssyncadd.s32 $0xFFFFFFFF  }
0x3c: {  	_ =	strace $0x9000004B  }
0x3d: {  	_ =	sfence  }
0x3e: {  	s30 =	sld [smem:$0x0];
	_ =	sdelay $0x2  }
0x3f: {  	s31 =	sshll.u32 s1, $0xD;
	s1 =	sshrl.u32 s1, $0x2  }
0x40: {  	s4 =	sand.u32 $0x4000, s31;
	s1 =	sadd.s32 s1, s30  }
0x41: {  	s0 =	sor.u32 s4, s0;
	s1 =	sshll.u32 s1, $0x11  }
0x42: {  	s0 =	sor.u32 s1, s0  }
0x43: {  	s0 =	sadd.s32 $0x8F2B, s0  }
0x44: {  	[sflag:s0] =	ssyncadd.remote.s32 $0x1  }
0x45: {  	_ =	sfence.sel $0xFFFF  }
0x46: {  	[dreg:$0x0] =	wrdreg $0xFFFFFFFF;
	(pc) =	sbr.abs _section_cstart, $3  }
0x47: {  	[dreg:$0x1] =	wrdreg $0xFFFFFFFF  }
0x48: {  	_ =	task.clear_ibuf [dreg:s23], $0x2FFFF;
	_ =	strace $0x9FFFFFFF  }
0x49: {  	(tm) =	ssettm $0x7FFFFFFF  }
tec
execute0_lowered:
.L_overlay_start_1:
0x0: {  	(tag) =	ssettag $0x1  }
0x1: {  	s0 =	srdreg.scid  }
0x2: {  	s1 =	sshll.u32 s0, $0x4  }
0x3: {  	s2 =	rddreg [dreg:$0x0];
	s0 =	stileid.u32;
	s1 =	sand.u32 $0x10, s1  }
0x4: {  	s4 =	rddreg [dreg:$0x1];
	s7 =	simm.s32 $0x1;
	s1 =	sor.u32 s0, s1  }
0x5: {  	s8 =	simm.s32 $0x2;
	s9 =	simm.s32 $0x0;
	s3 =	sshll.u32 s1, $0x1  }
0x6: {  	s12 =	simm.s32 $0x0;
	s11 =	simm.s32 $0x0;
	s6 =	ssub.s32 $0xFA0, s3  }
.Ltmp0:
0x7: {  	s4 =	sadd.s32 $0x3400, s4;
	s5 =	sand.u32 $0x3E, s6;
	(pc) =	sbr.rel .LBB1_1-.Ltmp0, $4  }
0x8: {  	s1 =	rddreg [dreg:$0x2];
	_ =	strace $0x8000004A;
	p0 =	sne.s32 s5, $0x0  }
0x9: {  	s6 =	sshrl.u32 s6, $0x6;
	s5 =	simm.s32 $0x1;
	s7 =	simm.s32 @!p0 $0x0  }
0xa: {  	s10 =	smov.u32 s3;
	[sflag:s5] =	ssyncpa.u1 $0x0;
	s6 =	sadd.s32 s7, s6  }
0xb: {  	[sflag:s8] =	ssyncpa.u1 $0x0;
	s8 =	simm.s32 $0x0;
	s7 =	sadd.s32 $0x1, s6  }
.LBB1_9:
0xc: {  	s14 =	sadd.s32 $0x40, s10  }
0xd: {  	p1 =	sgt.s32 s14, $0xF9F  }
0xe: {  	s14 =	smov.u32 @p1 s3;
	p1 =	sne.s32 s11, s7  }
.Ltmp1:
0xf: {  	p0 =	slt.u32 s11, $0x2;
	(pc) =	sbr.rel @!p1 .LBB1_10-.Ltmp1, $4  }
0x10: {  	s13 =	simm.s32 @!p0 $0x2  }
0x11: {  	s15 =	sadd.s32 $0x1, s11;
	_ =	swait.ge @!p0 [sflag:s13], $0x4000  }
0x12: {  	s12 =	smov.u32 s10;
	s9 =	sadd.s32 $0x4000, s9;
	[sflag:s13] =	ssyncset.done @!p0 $0x0  }
0x13: {  	s11 =	smov.u32 s15;
	s10 =	smov.u32 s14;
	[sflag:s13] =	ssyncadd.s32 @!p0 $0xFFFFC000  }
.LBB1_1:
0x14: {  	p0 =	sge.u32 s11, s6  }
0x15: {  	s13 =	sxor.u32 @!p0 $0xFFFFFFFF, s11  }
0x16: {  	s31 =	sadd.s32 $0xFFFFFFFF, s11;
	s14 =	sshll.u32 @!p0 s10, $0xA;
	s13 =	sshll.u32 @!p0 s13, $0xE  }
0x17: {  	s15 =	simm.s32 @!p0 $0x0;
	s14 =	sadd.s32 @!p0 s2, s14;
	s13 =	sand.u32 @!p0 $0x4000, s13  }
0x18: {  	[tilespmem:s13], [sflag:$0x1] =	stream.linear.gather @!p0 [hbm4b:s14+s15], $0x4000, $0x38;
	[tilespmem:$0x10000] =	vst v63  }
0x19: {  	p0 =	sge.u32 s31, s6  }
.Ltmp2:
0x1a: {  	_ = 	snop;
	(pc) =	sbr.rel @p0 .LBB1_9-.Ltmp2, $1  }
0x1b: {  	_ =	sdelay $0x3  }
0x1c: {  	s13 =	sshll.u32 s9, $0x2  }
0x1d: {  	_ =	swait.ge [sflag:s5], $0x4000;
	s14 =	sshll.u32 s11, $0xE;
	s16 =	simm.s32 $0x0  }
0x1e: {  	p1 =	por $0x1, $0x1;
	s13 =	sand.u32 $0x10000, s13;
	[sflag:s5] =	ssyncset.done $0x0  }
0x1f: {  	s14 =	sand.u32 $0x4000, s14;
	s15 =	sshrl.u32 s13, $0x2;
	[sflag:s5] =	ssyncadd.s32 $0xFFFFC000  }
0x20: {  	s13 =	sor.u32 $0x8000, s14;
	s14 =	sadd.s32 $0x8040, s15;
	s15 =	sadd.s32 $0x40, s15  }
.LBB1_3:
0x21: {  	s16 =	sshll.u32 s16, $0x2  }
0x22: {  	p0 =	por p1, p1;
	s17 =	sshra.s32 s16, $0x2  }
0x23: {  	s18 =	simm.s32 $0x0;
	s16 =	sadd.s32 s17, s14;
	s17 =	sadd.s32 s17, s15  }
.LBB1_4:
0x24: {  	v0 =	vmov s17;
	_ =	sdelay $0x3  }
0x25: {  	s20 =	simm.s32 $0x0  }
0x26: {  	v6 =	vld.idx.msk [tilespmem:v0+s20+$0x30 ss:$0x1], $0xffff  }
0x27: {  	v7 =	vld.idx.msk [tilespmem:v0+s20+$0xFFFFFFC0 ss:$0x1], $0xffff  }
0x28: {  	v5 =	vld.idx.msk [tilespmem:v0+s20+$0xFFFFFFD0 ss:$0x1], $0xffff  }
0x29: {  	v4 =	vld.idx.msk [tilespmem:v0+s20+$0xFFFFFFE0 ss:$0x1], $0xffff  }
0x2a: {  	v3 =	vld.idx.msk [tilespmem:v0+s20+$0xFFFFFFF0 ss:$0x1], $0xffff  }
0x2b: {  	v1 =	vld.idx.msk [tilespmem:v0+s20+$0x0 ss:$0x1], $0xffff  }
0x2c: {  	v2 =	vld.idx.msk [tilespmem:v0+s20+$0x10 ss:$0x1], $0xffff;
	[tilespmem:s16+$0x30] =	vst v6  }
0x2d: {  	s19 =	simm.s32 $0x80;
	s21 =	simm.s32 $0x400;
	[tilespmem:s16+$0xFFFFFFC0] =	vst v7;
	v6 =	vld.idx.msk [tilespmem:v0+s20+$0x20 ss:$0x1], $0xffff;
	s20 =	smov.u32 s16  }
.LBB1_5:
0x2e: {  	p1 =	sne.s32 s21, $0xE00;
	v7 =	vld.idx.msk [tilespmem:v0+s19+$0x30 ss:$0x1], $0xffff;
	[tilespmem:s20+$0xFFFFFFD0] =	vst v5  }
0x2f: {  	v8 =	vld.idx.msk [tilespmem:v0+s19+$0xFFFFFFC0 ss:$0x1], $0xffff;
	[tilespmem:s20+$0xFFFFFFE0] =	vst v4  }
0x30: {  	v5 =	vld.idx.msk [tilespmem:v0+s19+$0xFFFFFFD0 ss:$0x1], $0xffff;
	[tilespmem:s20+$0xFFFFFFF0] =	vst v3  }
.Ltmp3:
0x31: {  	v4 =	vld.idx.msk [tilespmem:v0+s19+$0xFFFFFFE0 ss:$0x1], $0xffff;
	[tilespmem:s20+$0x0] =	vst v1;
	(pc) =	sbr.rel @p1 .LBB1_5-.Ltmp3, $4  }
0x32: {  	v3 =	vld.idx.msk [tilespmem:v0+s19+$0xFFFFFFF0 ss:$0x1], $0xffff;
	[tilespmem:s20+$0x10] =	vst v2  }
0x33: {  	v1 =	vld.idx.msk [tilespmem:v0+s19+$0x0 ss:$0x1], $0xffff;
	[tilespmem:s20+$0x20] =	vst v6;
	s20 =	sadd.s32 $0x400, s20  }
0x34: {  	v2 =	vld.idx.msk [tilespmem:v0+s19+$0x10 ss:$0x1], $0xffff;
	[tilespmem:s20+$0x30] =	vst v7  }
0x35: {  	[tilespmem:s20+$0xFFFFFFC0] =	vst v8;
	v6 =	vld.idx.msk [tilespmem:v0+s19+$0x20 ss:$0x1], $0xffff;
	s19 =	sshra.s32 s21, $0x2;
	s21 =	sadd.s32 $0x200, s21  }
0x36: {  	_ =	sdelay $0x2  }
0x37: {  	[tilespmem:s20+$0xFFFFFFD0] =	vst v5  }
0x38: {  	v56 =	vld.idx.msk [tilespmem:v0+s19+$0x30 ss:$0x1], $0xffff;
	[tilespmem:s20+$0xFFFFFFE0] =	vst v4  }
0x39: {  	v57 =	vld.idx.msk [tilespmem:v0+s19+$0xFFFFFFC0 ss:$0x1], $0xffff;
	[tilespmem:s20+$0xFFFFFFF0] =	vst v3  }
0x3a: {  	v58 =	vld.idx.msk [tilespmem:v0+s19+$0xFFFFFFD0 ss:$0x1], $0xffff;
	[tilespmem:s20+$0x0] =	vst v1  }
0x3b: {  	v59 =	vld.idx.msk [tilespmem:v0+s19+$0xFFFFFFE0 ss:$0x1], $0xffff;
	[tilespmem:s20+$0x10] =	vst v2  }
0x3c: {  	v60 =	vld.idx.msk [tilespmem:v0+s19+$0xFFFFFFF0 ss:$0x1], $0xffff;
	s31 =	sadd.s32 $0x400, s20;
	[tilespmem:s20+$0x20] =	vst v6  }
0x3d: {  	v61 =	vld.idx.msk [tilespmem:v0+s19+$0x0 ss:$0x1], $0xffff;
	[tilespmem:s31+$0x30] =	vst v56  }
0x3e: {  	v62 =	vld.idx.msk [tilespmem:v0+s19+$0x10 ss:$0x1], $0xffff;
	s18 =	sadd.s32 $0x1, s18;
	[tilespmem:s31+$0xFFFFFFC0] =	vst v57  }
0x3f: {  	v63 =	vld.idx.msk [tilespmem:v0+s19+$0x20 ss:$0x1], $0xffff;
	p1 =	sne.s32 s18, $0x8;
	[tilespmem:s31+$0xFFFFFFD0] =	vst v58  }
.Ltmp4:
0x40: {  	[tilespmem:s31+$0xFFFFFFE0] =	vst v59;
	(pc) =	sbr.rel @p1 .LBB1_4-.Ltmp4, $4  }
0x41: {  	[tilespmem:s31+$0xFFFFFFF0] =	vst v60  }
0x42: {  	[tilespmem:s31+$0x0] =	vst v61  }
0x43: {  	[tilespmem:s31+$0x10] =	vst v62  }
0x44: {  	s16 =	sadd.s32 $0x80, s16;
	s17 =	sadd.s32 $0x400, s17;
	[tilespmem:s31+$0x20] =	vst v63  }
.Ltmp5:
0x45: {  	(pc) =	sbr.rel @p0 .LBB1_3-.Ltmp5, $2  }
0x46: {  	_ =	sdelay $0x2  }
0x47: {  	s16 =	simm.s32 $0x2000;
	p1 =	por $0x0, $0x0  }
.Ltmp6:
0x48: {  	(pc) =	sbr.rel .LBB1_9-.Ltmp6, $4  }
0x49: {  	_ = 	snop  }
0x4a: {  	s12 =	sshll.u32 s12, $0xA  }
0x4b: {  	s12 =	sadd.s32 s4, s12  }
0x4c: {  	[hbm4b:s12+s8] =	stream.linear.scatter [tilespmem:s13], [sflag:$0x2], $0x4000, $0x38;
	[tilespmem:$0x10000] =	vst v63  }
.LBB1_10:
0x4d: {  	_ =	sfence.sel $0x180000  }
0x4e: {  	s2 =	simm.s32 $0x1;
	[bflag:$0x0] =	sbarrier.arrive $0xFFFF  }
0x4f: {  	s31 =	simm.s32 $0x2;
	[sflag:s2] =	ssyncpa.u1 $0x1  }
0x50: {  	[sflag:s31] =	ssyncpa.u1 $0x1  }
0x51: {  	p0 =	sne.s32 s0, $0x0;
	_ =	strace $0x9000004A  }
0x52: {  	s0 =	sadd.s32 @!p0 $0x100000, s1;
	[bflag:$0x2] =	sbarrier.arrive $0xFFFF  }
0x53: {  	[sflag:s0] =	ssyncadd.tile.s32 @!p0 $0x1;
	_ =	shalt  }
.Lfunc_end1:
_tile_overlayer_lowered:
.L_overlay_start_2:
0x54: {  	(tag) =	ssettag $0x2  }
0x55: {  	s0 =	rddreg [dreg:$0x0];
	s2 =	stileid.u32  }
0x56: {  	s1 =	rddreg [dreg:$0x1];
	p0 =	sne.s32 s2, $0x0  }
0x57: {  	s3 =	rddreg [dreg:$0x2];
	[bflag:$0x3] =	sbarrier.arrive $0xFFFF;
	s2 =	simm.s32 @!p0 $0x1C01  }
0x58: {  	[timem:s3], [sflag:s2] =	dma.local @!p0 [hbm:s0], s1  }
0x59: {  	s0 =	simm.s32 @!p0 $0x1  }
0x5a: {  	_ =	swait.ge @!p0 [sflag:s0], s1  }
0x5b: {  	s1 =	ssub.s32 @!p0 $0x0, s1;
	[sflag:s0] =	ssyncset.done @!p0 $0x0  }
0x5c: {  	[sflag:s0] =	ssyncadd.s32 @!p0 s1  }
0x5d: {  	[bflag:$0x3] =	sbarrier.arrive $0xFFFF  }
0x5e: {  	_ =	shalt  }

// kernel: sparse-core-data-format-call.cloned.1.call-start
scs
called_computation_lowered:
.L_overlay_start_0:
0x0: {  	s2 =	sld [smem:$0x3FD9]  }
0x1: {  	s3 =	sld [smem:$0x3FFE];
	_ =	sdelay $0x1  }
0x2: {  	s1 =	srdreg.scid  }
0x3: {  	s0 =	sand.u32 $0x1, s1  }
0x4: {  	s16 =	sshll.u32 s0, $0xA;
	s2 =	sadd.s32 s3, s2  }
0x5: {  	s2 =	sadd.s32 s2, s16  }
0x6: {  	[smem:$0x3FBF] =	sst s2  }
0x7: {  	_ = 	snop  }
0x8: {  	s2 =	sld [smem:$0x3FD0];
	_ =	sdelay $0x2  }
0x9: {  	s17 =	simm.s32 $0xB;
	s4 =	simm.s32 $0x10  }
0xa: {  	[smem:s4], [sflag:s17] =	dma.local [hbm:s2], $0x1  }
0xb: {  	_ =	swait.eq [sflag:s17], $0x1  }
0xc: {  	[sflag:s17] =	ssyncset.done $0x0  }
0xd: {  	[sflag:s17] =	ssyncadd.s32 $0xFFFFFFFF  }
0xe: {  	s18 =	sld [smem:$0x10];
	(tm) =	ssettm $0x1  }
0xf: {  	s19 =	sld [smem:$0x3FFB];
	_ =	sdelay $0x3  }
0x10: {  	_ =	strace s19  }
0x11: {  	s2 =	sld [smem:$0x3FFC];
	_ =	sdelay $0x3  }
0x12: {  	_ =	strace s2  }
0x13: {  	s2 =	sld [smem:$0x3FFD];
	_ =	sdelay $0x3  }
0x14: {  	_ =	strace s2  }
0x15: {  	_ =	strace $0x8FFFFFFF  }
0x16: {  	s20 =	sld [smem:$0x3FDB];
	_ =	sdelay $0x1  }
0x17: {  	s21 =	simm.s32 $_scs_section_size  }
0x18: {  	s5 =	simm.s32 $_size__tile_overlayer_lowered;
	s6 =	simm.s32 $_tile_overlayer_lowered  }
0x19: {  	s7 =	simm.s32 $0x1BFF;
	s22 =	sshll.u32 s6, $0x1;
	s4 =	sadd.s32 s21, s20  }
0x1a: {  	s23 =	simm.s32 $0x0;
	s5 =	sshll.u32 s5, $0x1;
	s6 =	sadd.s32 s22, s4  }
0x1b: {  	[timem:s23], [sflag:s7] =	dma.local [hbm:s6], s5  }
0x1c: {  	_ =	swait.ge [sflag:s7], s5  }
0x1d: {  	s5 =	ssub.s32 $0x0, s5;
	[sflag:s7] =	ssyncset.done $0x0  }
0x1e: {  	[sflag:s7] =	ssyncadd.s32 s5;
	_ =	sdelay $0x1  }
0x1f: {  	s24 =	simm.s32 $0x1B8B  }
0x20: {  	_ =	swait.ge [sflag:s24], $0x1  }
0x21: {  	[sflag:s24] =	ssyncset.done $0x0  }
0x22: {  	[sflag:s24] =	ssyncadd.s32 $0xFFFFFFFF  }
0x23: {  	s5 =	sld [smem:$0x0]  }
0x24: {  	s6 =	sand.u32 $0xFFFFFFFE, s1  }
0x25: {  	p0 =	sne.s32 s1, s6  }
0x26: {  	s6 =	sshll.u32 @p0 s6, $0xE  }
0x27: {  	s6 =	sadd.s32 @p0 $0x11B8D, s6;
	s7 =	sshll.u32 @p0 s5, $0x11  }
0x28: {  	s6 =	sor.u32 @p0 s7, s6  }
0x29: {  	[sflag:s6] =	ssyncadd.remote.s32 @p0 $0x1;
	_ =	sdelay $0x1  }
0x2a: {  	s6 =	simm.s32 @p0 $0x1B8D  }
0x2b: {  	_ =	swait.eq @p0 [sflag:s6], $0x1  }
0x2c: {  	[sflag:s6] =	ssyncadd.s32 @p0 $0xFFFFFFFF  }
0x2d: {  	s7 =	sshll.u32 @!p0 s1, $0xE  }
0x2e: {  	s7 =	sor.u32 @!p0 $0x4000, s7;
	s6 =	simm.s32 @!p0 $0x1B8D  }
0x2f: {  	s5 =	sshll.u32 @!p0 s5, $0x11;
	s7 =	sadd.s32 @!p0 $0x11B8D, s7;
	_ =	swait.eq @!p0 [sflag:s6], $0x1  }
0x30: {  	s5 =	sor.u32 @!p0 s5, s7;
	[sflag:s6] =	ssyncadd.s32 @!p0 $0xFFFFFFFF  }
0x31: {  	s26 =	simm.s32 $0x1B8E;
	s25 =	sld [smem:$0x3FFE];
	[sflag:s5] =	ssyncadd.remote.s32 @!p0 $0x1  }
0x32: {  	s27 =	simm.s32 $execute0_lowered;
	[smem:$0x3FD2] =	sst s26  }
0x33: {  	s6 =	sshll.u32 s27, $0x1;
	_ =	strace $0x8000004F;
	[dreg:$0x1] =	wrdreg $0xFFFFFFFF  }
0x34: {  	s28 =	simm.s32 $_size_execute0_lowered;
	s4 =	sadd.s32 s4, s6;
	[dreg:$0x0] =	wrdreg $0x0  }
0x35: {  	s6 =	sshll.u32 s28, $0x1;
	[dreg:$0x2] =	wrdreg s4  }
0x36: {  	[dreg:$0x3] =	wrdreg s6  }
0x37: {  	[dreg:$0x4] =	wrdreg $0xC0  }
0x38: {  	_ =	task [dreg:s23], $0x5FFFF  }
0x39: {  	[dreg:$0x1] =	wrdreg $0xFFFFFFFF  }
0x3a: {  	[dreg:$0x0] =	wrdreg $0x60  }
0x3b: {  	[dreg:$0x2] =	wrdreg s25  }
0x3c: {  	[dreg:$0x3] =	wrdreg s18  }
0x3d: {  	[dreg:$0x4] =	wrdreg $0x9  }
0x3e: {  	_ =	task.clear_ibuf [dreg:s23], $0x5FFFF;
	_ =	strace $0x9000004F  }
0x3f: {  	s29 =	simm.s32 $0x9;
	_ =	strace $0x80000051  }
0x40: {  	_ =	swait.ge [sflag:s29], $0x1  }
0x41: {  	[sflag:s29] =	ssyncadd.s32 $0xFFFFFFFF  }
0x42: {  	_ =	strace $0x90000051  }
0x43: {  	_ =	sfence  }
0x44: {  	s30 =	sld [smem:$0x0];
	_ =	sdelay $0x2  }
0x45: {  	s31 =	sshll.u32 s1, $0xD;
	s1 =	sshrl.u32 s1, $0x2  }
0x46: {  	s4 =	sand.u32 $0x4000, s31;
	s1 =	sadd.s32 s1, s30  }
0x47: {  	s0 =	sor.u32 s4, s0;
	s1 =	sshll.u32 s1, $0x11  }
0x48: {  	s0 =	sor.u32 s1, s0  }
0x49: {  	s0 =	sadd.s32 $0x8F2B, s0  }
0x4a: {  	[sflag:s0] =	ssyncadd.remote.s32 $0x1  }
0x4b: {  	_ =	sfence.sel $0xFFFF  }
0x4c: {  	[dreg:$0x0] =	wrdreg $0xFFFFFFFF;
	(pc) =	sbr.abs _section_cstart, $3  }
0x4d: {  	[dreg:$0x1] =	wrdreg $0xFFFFFFFF  }
0x4e: {  	_ =	task.clear_ibuf [dreg:s23], $0x2FFFF;
	_ =	strace $0x9FFFFFFF  }
0x4f: {  	(tm) =	ssettm $0x7FFFFFFF  }
tec
execute0_lowered:
.L_overlay_start_1:
0x0: {  	(tag) =	ssettag $0x1  }
0x1: {  	s0 =	stileid.u32;
	s5 =	rddreg [dreg:$0x0]  }
0x2: {  	s1 =	srdreg.scid;
	s3 =	rddreg [dreg:$0x1];
	s6 =	simm.s32 $0x1  }
0x3: {  	s8 =	simm.s32 $0x2;
	s2 =	sshll.u32 s0, $0x4;
	s1 =	sshll.u32 s1, $0x8  }
0x4: {  	s18 =	simm.s32 $0x0;
	s9 =	simm.s32 $0x2000;
	s1 =	sor.u32 s2, s1  }
0x5: {  	s10 =	simm.s32 $0x0;
	s20 =	simm.s32 $0x0;
	s2 =	sand.u32 $0x180, s1  }
0x6: {  	s19 =	simm.s32 $0x0;
	s11 =	simm.s32 $0x0;
	s4 =	ssub.s32 $0x400, s2  }
0x7: {  	s12 =	simm.s32 $0x0;
	s13 =	simm.s32 $0x0;
	s31 =	sand.u32 $0x180, s4  }
0x8: {  	s15 =	simm.s32 $0x0;
	s7 =	sand.u32 $0x7, s0;
	p0 =	sne.s32 s31, $0x0  }
.Ltmp0:
0x9: {  	s4 =	sshrl.u32 s4, $0x9;
	s6 =	simm.s32 @!p0 $0x0;
	(pc) =	sbr.rel .LBB1_1-.Ltmp0, $4  }
0xa: {  	s1 =	rddreg [dreg:$0x2];
	_ =	strace $0x80000050;
	s6 =	sadd.s32 s6, s4  }
0xb: {  	s4 =	sadd.s32 $0x2A00, s5;
	s5 =	simm.s32 $0x1;
	s6 =	smul.u32 $0x14, s6  }
0xc: {  	s17 =	simm.s32 $0x0;
	s16 =	smov.u32 s7;
	[sflag:s5] =	ssyncpa.u1 $0x0  }
0xd: {  	s14 =	smov.u32 s2;
	[sflag:s8] =	ssyncpa.u1 $0x0;
	s8 =	sor.u32 $0x1, s6  }
.LBB1_4:
0xe: {  	_ =	sdelay $0x1  }
0xf: {  	p0 =	sgt.s32 s12, $0x97F  }
0x10: {  	s24 =	smov.u32 s12;
	s25 =	sshra.s32 s12, $0x1F;
	p1 =	sgt.s32 s13, $0x7  }
0x11: {  	[tilespmem:v0+s23+$0xFFFFFFA0 ss:$0x1] =	vst.idx.msk $0xffff, v7;
	s26 =	sshra.s32 s13, $0x1F;
	s24 =	simm.s32 @!p0 $0x97F;
	s25 =	sand.u32 s25, s12  }
0x12: {  	v56 =	vld.idx.msk [tilespmem:v1+s22+$0x30 ss:$0x1], $0xffff;
	[tilespmem:v0+s23+$0xFFFFFFB0 ss:$0x1] =	vst.idx.msk $0xffff, v6;
	s27 =	sshra.s32 s11, $0x1F;
	s30 =	sshll.u32 s13, $0x7;
	s24 =	ssub.s32 s24, s25  }
0x13: {  	v57 =	vld.idx.msk [tilespmem:v1+s22+$0xFFFFFFC0 ss:$0x1], $0xffff;
	[tilespmem:v0+s23+$0xFFFFFFC0 ss:$0x1] =	vst.idx.msk $0xffff, v5;
	s31 =	sand.u32 $0x78, s11;
	s26 =	sand.u32 s26, s13;
	s25 =	sadd.s32 $0xFFFFF681, s24  }
0x14: {  	v58 =	vld.idx.msk [tilespmem:v1+s22+$0xFFFFFFD0 ss:$0x1], $0xffff;
	[tilespmem:v0+s23+$0xFFFFFFD0 ss:$0x1] =	vst.idx.msk $0xffff, v3;
	s24 =	ssub.s32 $0x9FF, s24;
	p0 =	sgt.s32 s25, $0x7F;
	s25 =	smov.u32 s13  }
0x15: {  	v59 =	vld.idx.msk [tilespmem:v1+s22+$0xFFFFFFE0 ss:$0x1], $0xffff;
	[tilespmem:v0+s23+$0xFFFFFFE0 ss:$0x1] =	vst.idx.msk $0xffff, v2;
	s27 =	sand.u32 s27, s11;
	s24 =	simm.s32 @p0 $0x0;
	s25 =	simm.s32 @!p1 $0x7  }
0x16: {  	v60 =	vld.idx.msk [tilespmem:v1+s22+$0xFFFFFFF0 ss:$0x1], $0xffff;
	[tilespmem:v0+s23+$0xFFFFFFF0 ss:$0x1] =	vst.idx.msk $0xffff, v4;
	p0 =	sgt.s32 s11, $0x380;
	s25 =	ssub.s32 s25, s26;
	s26 =	smov.u32 s11  }
0x17: {  	v61 =	vld.idx.msk [tilespmem:v1+s22+$0x0 ss:$0x1], $0xffff;
	s23 =	sand.u32 $0x380, s30;
	[tilespmem:v0+s22+$0x0 ss:$0x1] =	vst.idx.msk $0xffff, v56;
	s29 =	sadd.s32 $0xFFFFFFF9, s25;
	s26 =	simm.s32 @!p0 $0x380  }
0x18: {  	v62 =	vld.idx.msk [tilespmem:v1+s22+$0x10 ss:$0x1], $0xffff;
	[tilespmem:v0+s22+$0xFFFFFF90 ss:$0x1] =	vst.idx.msk $0xffff, v57;
	s25 =	ssub.s32 $0x8, s25;
	p0 =	sgt.s32 s29, $0x0;
	s26 =	ssub.s32 s26, s27  }
0x19: {  	v63 =	vld.idx.msk [tilespmem:v1+s22+$0x20 ss:$0x1], $0xffff;
	s30 =	sshll.u32 s12, $0xA;
	[tilespmem:v0+s22+$0xFFFFFFA0 ss:$0x1] =	vst.idx.msk $0xffff, v58;
	s25 =	simm.s32 @p0 $0x0;
	s28 =	sadd.s32 $0xFFFFFC80, s26  }
0x1a: {  	[tilespmem:v0+s22+$0xFFFFFFB0 ss:$0x1] =	vst.idx.msk $0xffff, v59;
	s24 =	smul.u32 s25, s24;
	p0 =	sgt.s32 s28, $0x7F;
	s25 =	ssub.s32 $0x400, s26  }
0x1b: {  	s23 =	sor.u32 s23, s31;
	s31 =	sadd.s32 s3, s30;
	[tilespmem:v0+s22+$0xFFFFFFC0 ss:$0x1] =	vst.idx.msk $0xffff, v60;
	s25 =	simm.s32 @p0 $0x0  }
0x1c: {  	[tilespmem:v0+s22+$0xFFFFFFD0 ss:$0x1] =	vst.idx.msk $0xffff, v61;
	s29 =	sand.u32 $0x380, s11;
	s28 =	sand.u32 $0x7, s11;
	s24 =	smul.u32 s25, s24  }
0x1d: {  	s23 =	sshrl.u32 s23, $0x3;
	[tilespmem:v0+s22+$0xFFFFFFE0 ss:$0x1] =	vst.idx.msk $0xffff, v62;
	s25 =	sadd.s32 s29, s31;
	s29 =	sshll.u32 s28, $0x12  }
0x1e: {  	[tilespmem:v0+s22+$0xFFFFFFF0 ss:$0x1] =	vst.idx.msk $0xffff, v63;
	s23 =	sadd.s32 s23, s25;
	s31 =	sor.u32 $0x80, s29;
	s30 =	sand.u32 $0x3FFFFFFF, s24  }
0x1f: {  	[hbm4b:s23+s31] =	stream.strided.scatter [tilespmem:s21], [sflag:$0x2], s30, s9, s31, $0x38;
	[tilespmem:$0x10000] =	vst v63  }
.LBB1_5:
0x20: {  	p0 =	slt.u32 s17, $0x2  }
0x21: {  	s21 =	smov.u32 s20;
	p1 =	sgt.s32 @!p0 s20, $0x97F  }
0x22: {  	s22 =	sshra.s32 @!p0 s20, $0x1F;
	s23 =	sshra.s32 @!p0 s19, $0x1F;
	p1 =	por !p1, p0  }
0x23: {  	s20 =	sand.u32 @!p0 s22, s20;
	s21 =	simm.s32 @p1 $0x97F;
	p1 =	sgt.s32 @!p0 s19, $0x7  }
0x24: {  	s22 =	smov.u32 s19;
	p1 =	por !p1, p0;
	s20 =	ssub.s32 @!p0 s21, s20  }
0x25: {  	s19 =	sand.u32 @!p0 s23, s19;
	s22 =	simm.s32 @p1 $0x7;
	s21 =	sadd.s32 @!p0 $0xFFFFF681, s20  }
0x26: {  	p1 =	sgt.s32 @!p0 s18, $0x380;
	s19 =	ssub.s32 @!p0 s22, s19;
	p2 =	sgt.s32 @!p0 s21, $0x7F  }
0x27: {  	p1 =	por !p1, p0;
	s22 =	smov.u32 s18;
	s21 =	sadd.s32 @!p0 $0xFFFFFFF9, s19  }
0x28: {  	s22 =	simm.s32 @p1 $0x380;
	p1 =	sgt.s32 @!p0 s21, $0x0;
	s21 =	sshra.s32 @!p0 s18, $0x1F  }
0x29: {  	s20 =	ssub.s32 @!p0 $0x9FF, s20;
	p2 =	por !p2, p0;
	s18 =	sand.u32 @!p0 s21, s18  }
0x2a: {  	s19 =	ssub.s32 @!p0 $0x8, s19;
	p1 =	por !p1, p0;
	s18 =	ssub.s32 @!p0 s22, s18  }
0x2b: {  	s20 =	simm.s32 @!p2 $0x0;
	s19 =	simm.s32 @!p1 $0x0;
	s21 =	sadd.s32 @!p0 $0xFFFFFC80, s18  }
0x2c: {  	s22 =	smov.u32 s15;
	s19 =	smul.u32 @!p0 s19, s20;
	p1 =	sgt.s32 @!p0 s21, $0x7F  }
0x2d: {  	s18 =	ssub.s32 @!p0 $0x400, s18;
	s21 =	sadd.s32 $0x200, s14;
	p1 =	por !p1, p0  }
0x2e: {  	s20 =	sadd.s32 $0x80, s15;
	s18 =	simm.s32 @!p1 $0x0;
	p1 =	sgt.s32 s21, $0x3FF  }
0x2f: {  	s23 =	smov.u32 s16;
	s22 =	smov.u32 @p1 s20  }
0x30: {  	s18 =	smul.u32 @!p0 s18, s19;
	s19 =	sadd.s32 $0x8, s16;
	p2 =	sgt.s32 s22, $0x9FE  }
0x31: {  	s10 =	sadd.s32 $0x4000, s10;
	s24 =	simm.s32 @!p0 $0x2;
	s23 =	smov.u32 @p2 s19  }
0x32: {  	s21 =	smov.u32 @p1 s2;
	s20 =	smov.u32 s12;
	p1 =	sgt.s32 s23, $0x7  }
0x33: {  	s12 =	smov.u32 s15;
	s23 =	smov.u32 @p1 s7;
	p1 =	sne.s32 s17, s8  }
.Ltmp1:
0x34: {  	s18 =	sand.u32 @!p0 $0x3FFFFFFF, s18;
	s22 =	simm.s32 @p2 $0x0;
	(pc) =	sbr.rel @!p1 .LBB1_6-.Ltmp1, $4  }
0x35: {  	s19 =	smov.u32 s13;
	s13 =	smov.u32 s16;
	_ =	swait.ge @!p0 [sflag:s24], s18  }
0x36: {  	s25 =	ssub.s32 @!p0 $0x0, s18;
	s18 =	smov.u32 s11;
	s11 =	smov.u32 s14  }
0x37: {  	s14 =	smov.u32 s21;
	s15 =	smov.u32 s22;
	[sflag:s24] =	ssyncset.done @!p0 $0x0  }
0x38: {  	s17 =	sadd.s32 $0x1, s17;
	[sflag:s24] =	ssyncadd.s32 @!p0 s25;
	s16 =	smov.u32 s23  }
.LBB1_1:
0x39: {  	p0 =	sge.u32 s17, s6  }
0x3a: {  	s21 =	sshll.u32 @!p0 s15, $0xA  }
0x3b: {  	s22 =	sshll.u32 @!p0 s14, $0x3;
	s21 =	sand.u32 @!p0 $0xFFFFE000, s21  }
0x3c: {  	s21 =	sadd.s32 @!p0 s21, s22  }
0x3d: {  	s21 =	sshrl.u32 @!p0 s21, $0xA  }
0x3e: {  	s22 =	smulhi.u32 @!p0 $0x19999A, s21  }
0x3f: {  	s23 =	sshll.u32 @!p0 s15, $0x7;
	s25 =	smul.u32 @!p0 $0x50000, s16  }
0x40: {  	s24 =	sand.u32 @!p0 $0x78, s14;
	s23 =	sand.u32 @!p0 $0x380, s23;
	s22 =	smul.u32 @!p0 $0xA00, s22  }
0x41: {  	s31 =	sadd.s32 $0xFFFFFFFF, s17;
	s23 =	sor.u32 @!p0 s24, s23;
	s24 =	sadd.s32 @!p0 s4, s25  }
0x42: {  	s23 =	sshrl.u32 @!p0 s23, $0x3;
	s21 =	ssub.s32 @!p0 s21, s22;
	s22 =	sxor.u32 @!p0 $0xFFFFFFFF, s17  }
0x43: {  	s23 =	sadd.s32 @!p0 s23, s24;
	s24 =	sand.u32 @!p0 $0x7, s14;
	s22 =	sshll.u32 @!p0 s22, $0xE  }
0x44: {  	s24 =	sshll.u32 @!p0 s24, $0x12;
	s21 =	sshll.u32 @!p0 s21, $0x7;
	s22 =	sand.u32 @!p0 $0x4000, s22  }
0x45: {  	s21 =	sadd.s32 @!p0 s21, s23;
	s23 =	sor.u32 @!p0 $0x400, s24;
	s24 =	simm.s32 @!p0 $0x2000  }
0x46: {  	[tilespmem:s22], [sflag:$0x1] =	stream.strided.gather @!p0 [hbm4b:s21+s23], $0x4000, s24, s23, $0x38;
	[tilespmem:$0x10000] =	vst v63  }
0x47: {  	p0 =	sge.u32 s31, s6  }
.Ltmp2:
0x48: {  	_ = 	snop;
	(pc) =	sbr.rel @p0 .LBB1_5-.Ltmp2, $1  }
0x49: {  	_ =	sdelay $0x3  }
0x4a: {  	s21 =	sand.u32 $0x4000, s10  }
0x4b: {  	s22 =	sor.u32 $0x40, s21  }
0x4c: {  	v1 =	vmov s22;
	_ =	sdelay $0x1  }
0x4d: {  	_ =	swait.ge [sflag:s5], $0x4000  }
0x4e: {  	[sflag:s5] =	ssyncset.done $0x0  }
0x4f: {  	s23 =	simm.s32 $0x0;
	[sflag:s5] =	ssyncadd.s32 $0xFFFFC000  }
0x50: {  	s21 =	sor.u32 $0x8070, s21;
	v4 =	vld.idx.msk [tilespmem:v1+s23+$0x30 ss:$0x1], $0xffff  }
0x51: {  	v0 =	vmov s21;
	v8 =	vld.idx.msk [tilespmem:v1+s23+$0xFFFFFFC0 ss:$0x1], $0xffff  }
0x52: {  	v7 =	vld.idx.msk [tilespmem:v1+s23+$0xFFFFFFD0 ss:$0x1], $0xffff  }
0x53: {  	v6 =	vld.idx.msk [tilespmem:v1+s23+$0xFFFFFFE0 ss:$0x1], $0xffff  }
0x54: {  	v5 =	vld.idx.msk [tilespmem:v1+s23+$0xFFFFFFF0 ss:$0x1], $0xffff  }
0x55: {  	s31 =	sshll.u32 s17, $0xE;
	v3 =	vld.idx.msk [tilespmem:v1+s23+$0x0 ss:$0x1], $0xffff  }
0x56: {  	s21 =	sand.u32 $0x4000, s31;
	v2 =	vld.idx.msk [tilespmem:v1+s23+$0x10 ss:$0x1], $0xffff;
	[tilespmem:v0+s23+$0x0 ss:$0x1] =	vst.idx.msk $0xffff, v4  }
0x57: {  	s24 =	simm.s32 $0x400;
	s22 =	simm.s32 $0x80;
	s21 =	sor.u32 $0x8000, s21;
	[tilespmem:v0+s23+$0xFFFFFF90 ss:$0x1] =	vst.idx.msk $0xffff, v8;
	v4 =	vld.idx.msk [tilespmem:v1+s23+$0x20 ss:$0x1], $0xffff  }
.LBB1_3:
0x58: {  	p0 =	sne.s32 s24, $0xFE00;
	v8 =	vld.idx.msk [tilespmem:v1+s22+$0x30 ss:$0x1], $0xffff;
	[tilespmem:v0+s23+$0xFFFFFFA0 ss:$0x1] =	vst.idx.msk $0xffff, v7  }
0x59: {  	v9 =	vld.idx.msk [tilespmem:v1+s22+$0xFFFFFFC0 ss:$0x1], $0xffff;
	[tilespmem:v0+s23+$0xFFFFFFB0 ss:$0x1] =	vst.idx.msk $0xffff, v6  }
0x5a: {  	v7 =	vld.idx.msk [tilespmem:v1+s22+$0xFFFFFFD0 ss:$0x1], $0xffff;
	[tilespmem:v0+s23+$0xFFFFFFC0 ss:$0x1] =	vst.idx.msk $0xffff, v5  }
.Ltmp3:
0x5b: {  	v6 =	vld.idx.msk [tilespmem:v1+s22+$0xFFFFFFE0 ss:$0x1], $0xffff;
	[tilespmem:v0+s23+$0xFFFFFFD0 ss:$0x1] =	vst.idx.msk $0xffff, v3;
	(pc) =	sbr.rel @p0 .LBB1_3-.Ltmp3, $4  }
0x5c: {  	v5 =	vld.idx.msk [tilespmem:v1+s22+$0xFFFFFFF0 ss:$0x1], $0xffff;
	[tilespmem:v0+s23+$0xFFFFFFE0 ss:$0x1] =	vst.idx.msk $0xffff, v2  }
0x5d: {  	v3 =	vld.idx.msk [tilespmem:v1+s22+$0x0 ss:$0x1], $0xffff;
	[tilespmem:v0+s23+$0xFFFFFFF0 ss:$0x1] =	vst.idx.msk $0xffff, v4;
	s23 =	smov.u32 s22  }
0x5e: {  	v2 =	vld.idx.msk [tilespmem:v1+s23+$0x10 ss:$0x1], $0xffff;
	[tilespmem:v0+s23+$0x0 ss:$0x1] =	vst.idx.msk $0xffff, v8  }
0x5f: {  	s22 =	sshra.s32 s24, $0x2;
	s24 =	sadd.s32 $0x200, s24;
	[tilespmem:v0+s23+$0xFFFFFF90 ss:$0x1] =	vst.idx.msk $0xffff, v9;
	v4 =	vld.idx.msk [tilespmem:v1+s23+$0x20 ss:$0x1], $0xffff  }
.Ltmp4:
0x60: {  	_ = 	snop;
	(pc) =	sbr.rel .LBB1_4-.Ltmp4, $1  }
0x61: {  	_ =	sdelay $0x3  }
.LBB1_6:
0x62: {  	_ =	sfence.sel $0x180000  }
0x63: {  	s2 =	simm.s32 $0x1;
	[bflag:$0x0] =	sbarrier.arrive $0xFFFF  }
0x64: {  	s31 =	simm.s32 $0x2;
	[sflag:s2] =	ssyncpa.u1 $0x1  }
0x65: {  	[sflag:s31] =	ssyncpa.u1 $0x1  }
0x66: {  	p0 =	sne.s32 s0, $0x0;
	_ =	strace $0x90000050  }
0x67: {  	s0 =	sadd.s32 @!p0 $0x100000, s1;
	[bflag:$0x2] =	sbarrier.arrive $0xFFFF  }
0x68: {  	[sflag:s0] =	ssyncadd.tile.s32 @!p0 $0x1;
	_ =	shalt  }
.Lfunc_end1:
_tile_overlayer_lowered:
.L_overlay_start_2:
0x69: {  	(tag) =	ssettag $0x2  }
0x6a: {  	s0 =	rddreg [dreg:$0x0];
	s2 =	stileid.u32  }
0x6b: {  	s1 =	rddreg [dreg:$0x1];
	p0 =	sne.s32 s2, $0x0  }
0x6c: {  	s3 =	rddreg [dreg:$0x2];
	[bflag:$0x3] =	sbarrier.arrive $0xFFFF;
	s2 =	simm.s32 @!p0 $0x1C01  }
0x6d: {  	[timem:s3], [sflag:s2] =	dma.local @!p0 [hbm:s0], s1  }
0x6e: {  	s0 =	simm.s32 @!p0 $0x1  }
0x6f: {  	_ =	swait.ge @!p0 [sflag:s0], s1  }
0x70: {  	s1 =	ssub.s32 @!p0 $0x0, s1;
	[sflag:s0] =	ssyncset.done @!p0 $0x0  }
0x71: {  	[sflag:s0] =	ssyncadd.s32 @!p0 s1  }
0x72: {  	[bflag:$0x3] =	sbarrier.arrive $0xFFFF  }
0x73: {  	_ =	shalt  }

</sc_bundles>
